<compile_context>
chip_gen: v7x
topology: tpu7x:2x2x1
jax: 0.10.2.dev20260603
libtpu: 0.0.44.dev20260713+nightly
codegen_flags: <defaults>
</compile_context>

<pallas_src>
import functools

import jax
import jax.numpy as jnp
from jax import lax
from jax.experimental import pallas as pl
from jax.experimental.pallas import tpu as pltpu
from jax.experimental.pallas import tpu_sc as plsc

N_NODES = 10000
N_EDGES = 320000
D = 128
OUT = 3

NC = 2
NS = 16
NW = NC * NS
CH = 128
G_CHUNKS = -(-N_EDGES // (NW * CH))
EPT = G_CHUNKS * CH
EPAD = EPT * NW
NPAD = 10240
RPT = NPAD // NS
RB = RPT // CH
RBLK = 2048
NBLK = NPAD // RBLK

_f32 = jnp.float32


def _zero16():
    return jnp.zeros((16,), _f32)


def _one16():
    return jnp.ones((16,), _f32)


def _mesh():
    return plsc.VectorSubcoreMesh(
        core_axis_name="c", subcore_axis_name="s", num_cores=NC,
        num_subcores=NS,
    )


def _deg_body(dst_hbm, out_hbm, idx_v, ones_v, zeros_v, deg_sh):
    c = lax.axis_index("c")
    s = lax.axis_index("s")
    w = c * NS + s
    pltpu.sync_copy(dst_hbm.at[w], idx_v)
    for i in range(CH // 16):
        ones_v[pl.ds(i * 16, 16)] = _one16()
    for i in range(RPT // 16):
        zeros_v[pl.ds(i * 16, 16)] = _zero16()
    pltpu.sync_copy(zeros_v, deg_sh.at[pl.ds(s * RPT, RPT)])
    plsc.subcore_barrier()

    def chunk(g, carry):
        pltpu.sync_copy(ones_v, deg_sh.at[idx_v.at[g]], add=True)
        return carry

    lax.fori_loop(0, G_CHUNKS, chunk, 0)
    plsc.subcore_barrier()
    pltpu.sync_copy(deg_sh.at[pl.ds(s * RPT, RPT)],
                    out_hbm.at[c, pl.ds(s * RPT, RPT)])


@functools.cache
def _deg_kernel():
    return pl.kernel(
        _deg_body,
        out_type=jax.ShapeDtypeStruct((NC, NPAD), _f32),
        mesh=_mesh(),
        scratch_types=[
            pltpu.VMEM((G_CHUNKS, CH), jnp.int32),
            pltpu.VMEM((CH,), _f32),
            pltpu.VMEM((RPT,), _f32),
            pltpu.VMEM_SHARED((NPAD,), _f32),
        ],
    )


def _deg(dst_p):
    return _deg_kernel()(dst_p)


def _hop_body(u_hbm, src_hbm, dst_hbm, out_hbm, sidx_v, didx_v, rows_v,
              acc_sh):
    c = lax.axis_index("c")
    s = lax.axis_index("s")
    w = c * NS + s
    pltpu.sync_copy(src_hbm.at[w], sidx_v)
    pltpu.sync_copy(dst_hbm.at[w], didx_v)

    def zrow(i, carry):
        for k in range(D // 16):
            rows_v[i, pl.ds(k * 16, 16)] = _zero16()
        return carry

    lax.fori_loop(0, CH, zrow, 0)
    for r in range(RB):
        pltpu.sync_copy(rows_v, acc_sh.at[pl.ds(s * RPT + r * CH, CH)])
    plsc.subcore_barrier()

    def chunk(g, carry):
        pltpu.sync_copy(u_hbm.at[sidx_v.at[g]], rows_v)
        pltpu.sync_copy(rows_v, acc_sh.at[didx_v.at[g]], add=True)
        return carry

    lax.fori_loop(0, G_CHUNKS, chunk, 0)
    plsc.subcore_barrier()
    for r in range(RB):
        pltpu.sync_copy(acc_sh.at[pl.ds(s * RPT + r * CH, CH)],
                        out_hbm.at[c, pl.ds(s * RPT + r * CH, CH)])


@functools.cache
def _hop_kernel():
    return pl.kernel(
        _hop_body,
        out_type=jax.ShapeDtypeStruct((NC, NPAD, D), _f32),
        mesh=_mesh(),
        scratch_types=[
            pltpu.VMEM((G_CHUNKS, CH), jnp.int32),
            pltpu.VMEM((G_CHUNKS, CH), jnp.int32),
            pltpu.VMEM((CH, D), _f32),
            pltpu.VMEM_SHARED((NPAD, D), _f32),
        ],
    )


def _hop(u, src_p, dst_p):
    return _hop_kernel()(u, src_p, dst_p)


def _zk_body(x_ref, w_ref, degt_ref, u0_ref, dinv_ref):
    dt = degt_ref[...]
    degsum = dt[:, 0:1] + dt[:, 1:2] + 1.0
    dinv = lax.rsqrt(degsum)
    z = jnp.dot(x_ref[...], w_ref[...], preferred_element_type=_f32)
    u0_ref[...] = z * dinv
    dinv_ref[...] = dinv


def _zk(x_p, w_conv, degt):
    return pl.pallas_call(
        _zk_body,
        grid=(NBLK,),
        in_specs=[
            pl.BlockSpec((RBLK, D), lambda i: (i, 0)),
            pl.BlockSpec((D, D), lambda i: (0, 0)),
            pl.BlockSpec((RBLK, NC), lambda i: (i, 0)),
        ],
        out_specs=[
            pl.BlockSpec((RBLK, D), lambda i: (i, 0)),
            pl.BlockSpec((RBLK, 1), lambda i: (i, 0)),
        ],
        out_shape=[
            jax.ShapeDtypeStruct((NPAD, D), _f32),
            jax.ShapeDtypeStruct((NPAD, 1), _f32),
        ],
    )(x_p, w_conv, degt)


def _mid_body(ap_ref, u0_ref, dinv_ref, u1_ref):
    a = ap_ref[0] + ap_ref[1]
    dinv = dinv_ref[...]
    u1_ref[...] = (a + u0_ref[...]) * (dinv * dinv)


def _mid(a_partials, u0, dinv):
    return pl.pallas_call(
        _mid_body,
        grid=(NBLK,),
        in_specs=[
            pl.BlockSpec((NC, RBLK, D), lambda i: (0, i, 0)),
            pl.BlockSpec((RBLK, D), lambda i: (i, 0)),
            pl.BlockSpec((RBLK, 1), lambda i: (i, 0)),
        ],
        out_specs=pl.BlockSpec((RBLK, D), lambda i: (i, 0)),
        out_shape=jax.ShapeDtypeStruct((NPAD, D), _f32),
    )(a_partials, u0, dinv)


def _fin_body(ap_ref, u1_ref, dinv_ref, bc_ref, wp_ref, bp_ref, out_ref,
              acc_ref):
    i = pl.program_id(0)

    @pl.when(i == 0)
    def _():
        acc_ref[...] = jnp.zeros_like(acc_ref)

    a = ap_ref[0] + ap_ref[1]
    h = (a + u1_ref[...]) * dinv_ref[...]
    h = jnp.maximum(h + bc_ref[...], 0.0)
    row = i * RBLK + lax.broadcasted_iota(jnp.int32, (RBLK, 1), 0)
    h = jnp.where(row < N_NODES, h, 0.0)
    acc_ref[...] += jnp.sum(h, axis=0, keepdims=True)

    @pl.when(i == pl.num_programs(0) - 1)
    def _():
        g = acc_ref[...] * (1.0 / N_NODES)
        out_ref[...] = (
            jnp.dot(g, wp_ref[...], preferred_element_type=_f32) + bp_ref[...]
        )


def _fin(a_partials, u1, dinv, b_conv2, wp_pad, bp_pad):
    return pl.pallas_call(
        _fin_body,
        grid=(NBLK,),
        in_specs=[
            pl.BlockSpec((NC, RBLK, D), lambda i: (0, i, 0)),
            pl.BlockSpec((RBLK, D), lambda i: (i, 0)),
            pl.BlockSpec((RBLK, 1), lambda i: (i, 0)),
            pl.BlockSpec((1, D), lambda i: (0, 0)),
            pl.BlockSpec((D, D), lambda i: (0, 0)),
            pl.BlockSpec((1, D), lambda i: (0, 0)),
        ],
        out_specs=pl.BlockSpec((1, D), lambda i: (0, 0)),
        out_shape=jax.ShapeDtypeStruct((1, D), _f32),
        scratch_shapes=[pltpu.VMEM((1, D), _f32)],
    )(a_partials, u1, dinv, b_conv2, wp_pad, bp_pad)


def kernel(nfeat, edge_index, W_conv, b_conv, W_pred, b_pred):
    src = edge_index[0]
    dst = edge_index[1]
    pad = jnp.full((EPAD - N_EDGES,), N_NODES, jnp.int32)
    src_p = jnp.concatenate([src, pad]).reshape(NW, G_CHUNKS, CH)
    dst_p = jnp.concatenate([dst, pad]).reshape(NW, G_CHUNKS, CH)
    x_p = jnp.zeros((NPAD, D), _f32).at[:N_NODES].set(nfeat)
    b_conv2 = b_conv.reshape(1, D)
    wp_pad = jnp.zeros((D, D), _f32).at[:, :OUT].set(W_pred)
    bp_pad = jnp.zeros((1, D), _f32).at[0, :OUT].set(b_pred)

    deg_p = _deg(dst_p)
    degt = deg_p.T
    u0, dinv = _zk(x_p, W_conv, degt)
    a1 = _hop(u0, src_p, dst_p)
    u1 = _mid(a1, u0, dinv)
    a2 = _hop(u1, src_p, dst_p)
    out128 = _fin(a2, u1, dinv, b_conv2, wp_pad, bp_pad)
    return out128[:, :OUT]

# --- scband reference (transcript-rebuilt; emitter-appended) ---
"""Pipeline reference for scband-sgc-imdb-24163486007672 (READ-ONLY COPY).

The authoritative reference and input builder live on the scoring server;
editing this copy changes nothing except your own understanding.
"""

import jax, jax.numpy as jnp
import numpy as np

N = 10000
E = 320000
D = 128
OUT = 3
K = 2


def setup_inputs(seed: int = 0) -> dict:
    key = jax.random.key(seed)
    k1, k2, k3, k4 = jax.random.split(key, 4)
    nfeat = jax.random.normal(k1, (N, D), dtype=jnp.float32)
    edge_index = jax.random.randint(k2, (2, E), 0, N, dtype=jnp.int32)
    W_conv = jax.random.normal(k3, (D, D), dtype=jnp.float32) * 0.05
    b_conv = jnp.zeros((D,), dtype=jnp.float32)
    W_pred = jax.random.normal(k4, (D, OUT), dtype=jnp.float32) * 0.05
    b_pred = jnp.zeros((OUT,), dtype=jnp.float32)
    return {
        "nfeat": nfeat,
        "edge_index": edge_index,
        "W_conv": W_conv,
        "b_conv": b_conv,
        "W_pred": W_pred,
        "b_pred": b_pred,
    }


def reference(nfeat, edge_index, W_conv, b_conv, W_pred, b_pred):
    # SGC_IMDB forward with dropout p=0 (identity), norm_type='none' (identity norm),
    # activation=relu, pool_type='mean'.
    src = edge_index[0]
    dst = edge_index[1]
    # Symmetric normalization with self-loops (SGConv): D^{-1/2}(A+I)D^{-1/2}, applied K times.
    deg = jnp.zeros((N,), dtype=jnp.float32).at[dst].add(1.0) + 1.0
    dinv = jax.lax.rsqrt(deg)
    h = nfeat
    for _ in range(K):
        hn = h * dinv[:, None]
        agg = jax.ops.segment_sum(hn[src], dst, num_segments=N)
        agg = agg + hn  # self-loop contribution
        h = agg * dinv[:, None]
    # SGConv linear transform
    h = h @ W_conv + b_conv
    # middle_norm: identity (norm_type='none'); activation + dropout(p=0)
    h = jax.nn.relu(h)
    # global mean pooling over all nodes (single graph)
    g = jnp.mean(h, axis=0, keepdims=True)
    # GraphPredict: linear head
    pre = g @ W_pred + b_pred
    return pre

if __name__ == "__main__":
    import jax
    _d = setup_inputs()
    print(jax.jit(kernel)(*tuple(_d.values())))

</pallas_src>

<mosaic_0001>
#map = affine_map<(d0, d1) -> (0, 0)>
#map1 = affine_map<(d0, d1) -> (0, 0, 0)>
module attributes {stable_mosaic.version = 14 : i64} {
  func.func @_hop_body(%arg0: i32, %arg1: i32, %arg2: memref<10240x128xf32, #tpu.memory_space<hbm>>, %arg3: memref<32x79x128xi32, #tpu.memory_space<hbm>>, %arg4: memref<32x79x128xi32, #tpu.memory_space<hbm>>, %arg5: memref<2x10240x128xf32, #tpu.memory_space<hbm>>, %arg6: memref<79x128xi32, #tpu.memory_space<vmem>>, %arg7: memref<79x128xi32, #tpu.memory_space<vmem>>, %arg8: memref<128x128xf32, #tpu.memory_space<vmem>>, %arg9: memref<10240x128xf32, #tpu.memory_space<vmem_shared>>) attributes {dimension_semantics = [#tpu.dimension_semantics<core_parallel>, #tpu.dimension_semantics<subcore_parallel>], iteration_bounds = array<i64: 2, 16>, scalar_prefetch = 0 : i64, scratch_operands = 4 : i64, tpu.core_type = #tpu.core_type<sc_vector_subcore>, window_params = [{transform_indices = #map}, {transform_indices = #map1}, {transform_indices = #map1}, {transform_indices = #map1}]} {
    %mul3A = arith.constant 16 : i32
    %mul3A_0 = arith.muli %arg0, %mul3A : i32
    %add3A = arith.addi %mul3A_0, %arg1 : i32
    "tpu.region"() ({
      %run_scoped3A = tpu.sem_alloc : memref<!tpu.dma_semaphore, #tpu.memory_space<semaphore_mem>>
      %dma_start3A = arith.constant 0 : i32
      %dma_start3A_73 = arith.constant 0 : i32
      %dma_start3A_74 = tpu.memref_slice %arg3[%add3A, %dma_start3A, %dma_start3A_73] : memref<32x79x128xi32, #tpu.memory_space<hbm>> -> memref<1x79x128xi32, #tpu.memory_space<hbm>>
      %dma_start3A_75 = tpu.memref_squeeze %dma_start3A_74 : memref<1x79x128xi32, #tpu.memory_space<hbm>> -> memref<79x128xi32, #tpu.memory_space<hbm>>
      %dma_start3A_76 = arith.constant 0 : i32
      %dma_start3A_77 = arith.constant 0 : i32
      %dma_start3A_78 = tpu.memref_slice %arg3[%add3A, %dma_start3A_76, %dma_start3A_77] : memref<32x79x128xi32, #tpu.memory_space<hbm>> -> memref<1x79x128xi32, #tpu.memory_space<hbm>>
      %dma_start3A_79 = tpu.memref_squeeze %dma_start3A_78 : memref<1x79x128xi32, #tpu.memory_space<hbm>> -> memref<79x128xi32, #tpu.memory_space<hbm>>
      tpu.enqueue_dma source(%dma_start3A_79 : memref<79x128xi32, #tpu.memory_space<hbm>>) target(%arg6 : memref<79x128xi32, #tpu.memory_space<vmem>>) target_semaphore(%run_scoped3A : memref<!tpu.dma_semaphore, #tpu.memory_space<semaphore_mem>>)
      %dma_wait3A = arith.constant 0 : i32
      %dma_wait3A_80 = arith.constant 0 : i32
      %dma_wait3A_81 = tpu.memref_slice %arg3[%add3A, %dma_wait3A, %dma_wait3A_80] : memref<32x79x128xi32, #tpu.memory_space<hbm>> -> memref<1x79x128xi32, #tpu.memory_space<hbm>>
      %dma_wait3A_82 = tpu.memref_squeeze %dma_wait3A_81 : memref<1x79x128xi32, #tpu.memory_space<hbm>> -> memref<79x128xi32, #tpu.memory_space<hbm>>
      %dma_wait3A_83 = arith.constant 0 : i32
      %dma_wait3A_84 = arith.constant 0 : i32
      %dma_wait3A_85 = tpu.memref_slice %arg3[%add3A, %dma_wait3A_83, %dma_wait3A_84] : memref<32x79x128xi32, #tpu.memory_space<hbm>> -> memref<1x79x128xi32, #tpu.memory_space<hbm>>
      %dma_wait3A_86 = tpu.memref_squeeze %dma_wait3A_85 : memref<1x79x128xi32, #tpu.memory_space<hbm>> -> memref<79x128xi32, #tpu.memory_space<hbm>>
      tpu.wait_dma2 semaphore(%run_scoped3A : memref<!tpu.dma_semaphore, #tpu.memory_space<semaphore_mem>>) src(%dma_wait3A_86 : memref<79x128xi32, #tpu.memory_space<hbm>>) dst(%arg6 : memref<79x128xi32, #tpu.memory_space<vmem>>)
      tpu.yield
    }) : () -> ()
    "tpu.region"() ({
      %run_scoped3A = tpu.sem_alloc : memref<!tpu.dma_semaphore, #tpu.memory_space<semaphore_mem>>
      %dma_start3A = arith.constant 0 : i32
      %dma_start3A_73 = arith.constant 0 : i32
      %dma_start3A_74 = tpu.memref_slice %arg4[%add3A, %dma_start3A, %dma_start3A_73] : memref<32x79x128xi32, #tpu.memory_space<hbm>> -> memref<1x79x128xi32, #tpu.memory_space<hbm>>
      %dma_start3A_75 = tpu.memref_squeeze %dma_start3A_74 : memref<1x79x128xi32, #tpu.memory_space<hbm>> -> memref<79x128xi32, #tpu.memory_space<hbm>>
      %dma_start3A_76 = arith.constant 0 : i32
      %dma_start3A_77 = arith.constant 0 : i32
      %dma_start3A_78 = tpu.memref_slice %arg4[%add3A, %dma_start3A_76, %dma_start3A_77] : memref<32x79x128xi32, #tpu.memory_space<hbm>> -> memref<1x79x128xi32, #tpu.memory_space<hbm>>
      %dma_start3A_79 = tpu.memref_squeeze %dma_start3A_78 : memref<1x79x128xi32, #tpu.memory_space<hbm>> -> memref<79x128xi32, #tpu.memory_space<hbm>>
      tpu.enqueue_dma source(%dma_start3A_79 : memref<79x128xi32, #tpu.memory_space<hbm>>) target(%arg7 : memref<79x128xi32, #tpu.memory_space<vmem>>) target_semaphore(%run_scoped3A : memref<!tpu.dma_semaphore, #tpu.memory_space<semaphore_mem>>)
      %dma_wait3A = arith.constant 0 : i32
      %dma_wait3A_80 = arith.constant 0 : i32
      %dma_wait3A_81 = tpu.memref_slice %arg4[%add3A, %dma_wait3A, %dma_wait3A_80] : memref<32x79x128xi32, #tpu.memory_space<hbm>> -> memref<1x79x128xi32, #tpu.memory_space<hbm>>
      %dma_wait3A_82 = tpu.memref_squeeze %dma_wait3A_81 : memref<1x79x128xi32, #tpu.memory_space<hbm>> -> memref<79x128xi32, #tpu.memory_space<hbm>>
      %dma_wait3A_83 = arith.constant 0 : i32
      %dma_wait3A_84 = arith.constant 0 : i32
      %dma_wait3A_85 = tpu.memref_slice %arg4[%add3A, %dma_wait3A_83, %dma_wait3A_84] : memref<32x79x128xi32, #tpu.memory_space<hbm>> -> memref<1x79x128xi32, #tpu.memory_space<hbm>>
      %dma_wait3A_86 = tpu.memref_squeeze %dma_wait3A_85 : memref<1x79x128xi32, #tpu.memory_space<hbm>> -> memref<79x128xi32, #tpu.memory_space<hbm>>
      tpu.wait_dma2 semaphore(%run_scoped3A : memref<!tpu.dma_semaphore, #tpu.memory_space<semaphore_mem>>) src(%dma_wait3A_86 : memref<79x128xi32, #tpu.memory_space<hbm>>) dst(%arg7 : memref<79x128xi32, #tpu.memory_space<vmem>>)
      tpu.yield
    }) : () -> ()
    %scan3A = arith.constant 0 : i32
    %scan3A_1 = arith.constant 0 : i32
    %scan3A_2 = arith.constant 128 : i32
    %scan3A_3 = arith.addi %scan3A_1, %scan3A_2 : i32
    %scan3A_4 = arith.constant 1 : i32
    scf.for %scan3A_73 = %scan3A_1 to %scan3A_3 step %scan3A_4  : i32 {
      %broadcast_in_dim3A = arith.constant 0.000000e+00 : f32
      %broadcast_in_dim3A_74 = vector.broadcast %broadcast_in_dim3A : f32 to vector<16xf32>
      %swap3A = arith.index_cast %scan3A_73 : i32 to index
      %swap3A_75 = arith.constant 0 : index
      %swap3A_76 = tpu.vector_load %arg8[%swap3A, %swap3A_75] {strides = array<i32>} : memref<128x128xf32, #tpu.memory_space<vmem>>, vector<1x16xf32>,
      %swap3A_77 = vector.shape_cast %swap3A_76 : vector<1x16xf32> to vector<16xf32>
      %swap3A_78 = vector.shape_cast %broadcast_in_dim3A_74 : vector<16xf32> to vector<1x16xf32>
      tpu.vector_store %arg8[%swap3A, %swap3A_75], %swap3A_78 {strides = array<i32>} : memref<128x128xf32, #tpu.memory_space<vmem>>, vector<1x16xf32>,
      %broadcast_in_dim3A_79 = arith.constant 0.000000e+00 : f32
      %broadcast_in_dim3A_80 = vector.broadcast %broadcast_in_dim3A_79 : f32 to vector<16xf32>
      %swap3A_81 = arith.index_cast %scan3A_73 : i32 to index
      %swap3A_82 = arith.constant 16 : index
      %swap3A_83 = tpu.vector_load %arg8[%swap3A_81, %swap3A_82] {strides = array<i32>} : memref<128x128xf32, #tpu.memory_space<vmem>>, vector<1x16xf32>,
      %swap3A_84 = vector.shape_cast %swap3A_83 : vector<1x16xf32> to vector<16xf32>
      %swap3A_85 = vector.shape_cast %broadcast_in_dim3A_80 : vector<16xf32> to vector<1x16xf32>
      tpu.vector_store %arg8[%swap3A_81, %swap3A_82], %swap3A_85 {strides = array<i32>} : memref<128x128xf32, #tpu.memory_space<vmem>>, vector<1x16xf32>,
      %broadcast_in_dim3A_86 = arith.constant 0.000000e+00 : f32
      %broadcast_in_dim3A_87 = vector.broadcast %broadcast_in_dim3A_86 : f32 to vector<16xf32>
      %swap3A_88 = arith.index_cast %scan3A_73 : i32 to index
      %swap3A_89 = arith.constant 32 : index
      %swap3A_90 = tpu.vector_load %arg8[%swap3A_88, %swap3A_89] {strides = array<i32>} : memref<128x128xf32, #tpu.memory_space<vmem>>, vector<1x16xf32>,
      %swap3A_91 = vector.shape_cast %swap3A_90 : vector<1x16xf32> to vector<16xf32>
      %swap3A_92 = vector.shape_cast %broadcast_in_dim3A_87 : vector<16xf32> to vector<1x16xf32>
      tpu.vector_store %arg8[%swap3A_88, %swap3A_89], %swap3A_92 {strides = array<i32>} : memref<128x128xf32, #tpu.memory_space<vmem>>, vector<1x16xf32>,
      %broadcast_in_dim3A_93 = arith.constant 0.000000e+00 : f32
      %broadcast_in_dim3A_94 = vector.broadcast %broadcast_in_dim3A_93 : f32 to vector<16xf32>
      %swap3A_95 = arith.index_cast %scan3A_73 : i32 to index
      %swap3A_96 = arith.constant 48 : index
      %swap3A_97 = tpu.vector_load %arg8[%swap3A_95, %swap3A_96] {strides = array<i32>} : memref<128x128xf32, #tpu.memory_space<vmem>>, vector<1x16xf32>,
      %swap3A_98 = vector.shape_cast %swap3A_97 : vector<1x16xf32> to vector<16xf32>
      %swap3A_99 = vector.shape_cast %broadcast_in_dim3A_94 : vector<16xf32> to vector<1x16xf32>
      tpu.vector_store %arg8[%swap3A_95, %swap3A_96], %swap3A_99 {strides = array<i32>} : memref<128x128xf32, #tpu.memory_space<vmem>>, vector<1x16xf32>,
      %broadcast_in_dim3A_100 = arith.constant 0.000000e+00 : f32
      %broadcast_in_dim3A_101 = vector.broadcast %broadcast_in_dim3A_100 : f32 to vector<16xf32>
      %swap3A_102 = arith.index_cast %scan3A_73 : i32 to index
      %swap3A_103 = arith.constant 64 : index
      %swap3A_104 = tpu.vector_load %arg8[%swap3A_102, %swap3A_103] {strides = array<i32>} : memref<128x128xf32, #tpu.memory_space<vmem>>, vector<1x16xf32>,
      %swap3A_105 = vector.shape_cast %swap3A_104 : vector<1x16xf32> to vector<16xf32>
      %swap3A_106 = vector.shape_cast %broadcast_in_dim3A_101 : vector<16xf32> to vector<1x16xf32>
      tpu.vector_store %arg8[%swap3A_102, %swap3A_103], %swap3A_106 {strides = array<i32>} : memref<128x128xf32, #tpu.memory_space<vmem>>, vector<1x16xf32>,
      %broadcast_in_dim3A_107 = arith.constant 0.000000e+00 : f32
      %broadcast_in_dim3A_108 = vector.broadcast %broadcast_in_dim3A_107 : f32 to vector<16xf32>
      %swap3A_109 = arith.index_cast %scan3A_73 : i32 to index
      %swap3A_110 = arith.constant 80 : index
      %swap3A_111 = tpu.vector_load %arg8[%swap3A_109, %swap3A_110] {strides = array<i32>} : memref<128x128xf32, #tpu.memory_space<vmem>>, vector<1x16xf32>,
      %swap3A_112 = vector.shape_cast %swap3A_111 : vector<1x16xf32> to vector<16xf32>
      %swap3A_113 = vector.shape_cast %broadcast_in_dim3A_108 : vector<16xf32> to vector<1x16xf32>
      tpu.vector_store %arg8[%swap3A_109, %swap3A_110], %swap3A_113 {strides = array<i32>} : memref<128x128xf32, #tpu.memory_space<vmem>>, vector<1x16xf32>,
      %broadcast_in_dim3A_114 = arith.constant 0.000000e+00 : f32
      %broadcast_in_dim3A_115 = vector.broadcast %broadcast_in_dim3A_114 : f32 to vector<16xf32>
      %swap3A_116 = arith.index_cast %scan3A_73 : i32 to index
      %swap3A_117 = arith.constant 96 : index
      %swap3A_118 = tpu.vector_load %arg8[%swap3A_116, %swap3A_117] {strides = array<i32>} : memref<128x128xf32, #tpu.memory_space<vmem>>, vector<1x16xf32>,
      %swap3A_119 = vector.shape_cast %swap3A_118 : vector<1x16xf32> to vector<16xf32>
      %swap3A_120 = vector.shape_cast %broadcast_in_dim3A_115 : vector<16xf32> to vector<1x16xf32>
      tpu.vector_store %arg8[%swap3A_116, %swap3A_117], %swap3A_120 {strides = array<i32>} : memref<128x128xf32, #tpu.memory_space<vmem>>, vector<1x16xf32>,
      %broadcast_in_dim3A_121 = arith.constant 0.000000e+00 : f32
      %broadcast_in_dim3A_122 = vector.broadcast %broadcast_in_dim3A_121 : f32 to vector<16xf32>
      %swap3A_123 = arith.index_cast %scan3A_73 : i32 to index
      %swap3A_124 = arith.constant 112 : index
      %swap3A_125 = tpu.vector_load %arg8[%swap3A_123, %swap3A_124] {strides = array<i32>} : memref<128x128xf32, #tpu.memory_space<vmem>>, vector<1x16xf32>,
      %swap3A_126 = vector.shape_cast %swap3A_125 : vector<1x16xf32> to vector<16xf32>
      %swap3A_127 = vector.shape_cast %broadcast_in_dim3A_122 : vector<16xf32> to vector<1x16xf32>
      tpu.vector_store %arg8[%swap3A_123, %swap3A_124], %swap3A_127 {strides = array<i32>} : memref<128x128xf32, #tpu.memory_space<vmem>>, vector<1x16xf32>,
    }
    %scan3A_5 = arith.constant 128 : i32
    %mul3A_6 = arith.constant 640 : i32
    %mul3A_7 = arith.muli %arg1, %mul3A_6 : i32
    %add3A_8 = arith.constant 0 : i32
    %add3A_9 = arith.addi %mul3A_7, %add3A_8 : i32
    "tpu.region"() ({
      %run_scoped3A = tpu.sem_alloc : memref<!tpu.dma_semaphore, #tpu.memory_space<semaphore_mem>>
      %dma_start3A = arith.constant 0 : i32
      %dma_start3A_73 = tpu.memref_slice %arg9[%add3A_9, %dma_start3A] : memref<10240x128xf32, #tpu.memory_space<vmem_shared>> -> memref<128x128xf32, #tpu.memory_space<vmem_shared>>
      %dma_start3A_74 = arith.constant 0 : i32
      %dma_start3A_75 = tpu.memref_slice %arg9[%add3A_9, %dma_start3A_74] : memref<10240x128xf32, #tpu.memory_space<vmem_shared>> -> memref<128x128xf32, #tpu.memory_space<vmem_shared>>
      tpu.enqueue_dma source(%arg8 : memref<128x128xf32, #tpu.memory_space<vmem>>) target(%dma_start3A_75 : memref<128x128xf32, #tpu.memory_space<vmem_shared>>) target_semaphore(%run_scoped3A : memref<!tpu.dma_semaphore, #tpu.memory_space<semaphore_mem>>)
      %dma_wait3A = arith.constant 0 : i32
      %dma_wait3A_76 = tpu.memref_slice %arg9[%add3A_9, %dma_wait3A] : memref<10240x128xf32, #tpu.memory_space<vmem_shared>> -> memref<128x128xf32, #tpu.memory_space<vmem_shared>>
      %dma_wait3A_77 = arith.constant 0 : i32
      %dma_wait3A_78 = tpu.memref_slice %arg9[%add3A_9, %dma_wait3A_77] : memref<10240x128xf32, #tpu.memory_space<vmem_shared>> -> memref<128x128xf32, #tpu.memory_space<vmem_shared>>
      tpu.wait_dma2 semaphore(%run_scoped3A : memref<!tpu.dma_semaphore, #tpu.memory_space<semaphore_mem>>) src(%arg8 : memref<128x128xf32, #tpu.memory_space<vmem>>) dst(%dma_wait3A_78 : memref<128x128xf32, #tpu.memory_space<vmem_shared>>)
      tpu.yield
    }) : () -> ()
    %mul3A_10 = arith.constant 640 : i32
    %mul3A_11 = arith.muli %arg1, %mul3A_10 : i32
    %add3A_12 = arith.constant 128 : i32
    %add3A_13 = arith.addi %mul3A_11, %add3A_12 : i32
    "tpu.region"() ({
      %run_scoped3A = tpu.sem_alloc : memref<!tpu.dma_semaphore, #tpu.memory_space<semaphore_mem>>
      %dma_start3A = arith.constant 0 : i32
      %dma_start3A_73 = tpu.memref_slice %arg9[%add3A_13, %dma_start3A] : memref<10240x128xf32, #tpu.memory_space<vmem_shared>> -> memref<128x128xf32, #tpu.memory_space<vmem_shared>>
      %dma_start3A_74 = arith.constant 0 : i32
      %dma_start3A_75 = tpu.memref_slice %arg9[%add3A_13, %dma_start3A_74] : memref<10240x128xf32, #tpu.memory_space<vmem_shared>> -> memref<128x128xf32, #tpu.memory_space<vmem_shared>>
      tpu.enqueue_dma source(%arg8 : memref<128x128xf32, #tpu.memory_space<vmem>>) target(%dma_start3A_75 : memref<128x128xf32, #tpu.memory_space<vmem_shared>>) target_semaphore(%run_scoped3A : memref<!tpu.dma_semaphore, #tpu.memory_space<semaphore_mem>>)
      %dma_wait3A = arith.constant 0 : i32
      %dma_wait3A_76 = tpu.memref_slice %arg9[%add3A_13, %dma_wait3A] : memref<10240x128xf32, #tpu.memory_space<vmem_shared>> -> memref<128x128xf32, #tpu.memory_space<vmem_shared>>
      %dma_wait3A_77 = arith.constant 0 : i32
      %dma_wait3A_78 = tpu.memref_slice %arg9[%add3A_13, %dma_wait3A_77] : memref<10240x128xf32, #tpu.memory_space<vmem_shared>> -> memref<128x128xf32, #tpu.memory_space<vmem_shared>>
      tpu.wait_dma2 semaphore(%run_scoped3A : memref<!tpu.dma_semaphore, #tpu.memory_space<semaphore_mem>>) src(%arg8 : memref<128x128xf32, #tpu.memory_space<vmem>>) dst(%dma_wait3A_78 : memref<128x128xf32, #tpu.memory_space<vmem_shared>>)
      tpu.yield
    }) : () -> ()
    %mul3A_14 = arith.constant 640 : i32
    %mul3A_15 = arith.muli %arg1, %mul3A_14 : i32
    %add3A_16 = arith.constant 256 : i32
    %add3A_17 = arith.addi %mul3A_15, %add3A_16 : i32
    "tpu.region"() ({
      %run_scoped3A = tpu.sem_alloc : memref<!tpu.dma_semaphore, #tpu.memory_space<semaphore_mem>>
      %dma_start3A = arith.constant 0 : i32
      %dma_start3A_73 = tpu.memref_slice %arg9[%add3A_17, %dma_start3A] : memref<10240x128xf32, #tpu.memory_space<vmem_shared>> -> memref<128x128xf32, #tpu.memory_space<vmem_shared>>
      %dma_start3A_74 = arith.constant 0 : i32
      %dma_start3A_75 = tpu.memref_slice %arg9[%add3A_17, %dma_start3A_74] : memref<10240x128xf32, #tpu.memory_space<vmem_shared>> -> memref<128x128xf32, #tpu.memory_space<vmem_shared>>
      tpu.enqueue_dma source(%arg8 : memref<128x128xf32, #tpu.memory_space<vmem>>) target(%dma_start3A_75 : memref<128x128xf32, #tpu.memory_space<vmem_shared>>) target_semaphore(%run_scoped3A : memref<!tpu.dma_semaphore, #tpu.memory_space<semaphore_mem>>)
      %dma_wait3A = arith.constant 0 : i32
      %dma_wait3A_76 = tpu.memref_slice %arg9[%add3A_17, %dma_wait3A] : memref<10240x128xf32, #tpu.memory_space<vmem_shared>> -> memref<128x128xf32, #tpu.memory_space<vmem_shared>>
      %dma_wait3A_77 = arith.constant 0 : i32
      %dma_wait3A_78 = tpu.memref_slice %arg9[%add3A_17, %dma_wait3A_77] : memref<10240x128xf32, #tpu.memory_space<vmem_shared>> -> memref<128x128xf32, #tpu.memory_space<vmem_shared>>
      tpu.wait_dma2 semaphore(%run_scoped3A : memref<!tpu.dma_semaphore, #tpu.memory_space<semaphore_mem>>) src(%arg8 : memref<128x128xf32, #tpu.memory_space<vmem>>) dst(%dma_wait3A_78 : memref<128x128xf32, #tpu.memory_space<vmem_shared>>)
      tpu.yield
    }) : () -> ()
    %mul3A_18 = arith.constant 640 : i32
    %mul3A_19 = arith.muli %arg1, %mul3A_18 : i32
    %add3A_20 = arith.constant 384 : i32
    %add3A_21 = arith.addi %mul3A_19, %add3A_20 : i32
    "tpu.region"() ({
      %run_scoped3A = tpu.sem_alloc : memref<!tpu.dma_semaphore, #tpu.memory_space<semaphore_mem>>
      %dma_start3A = arith.constant 0 : i32
      %dma_start3A_73 = tpu.memref_slice %arg9[%add3A_21, %dma_start3A] : memref<10240x128xf32, #tpu.memory_space<vmem_shared>> -> memref<128x128xf32, #tpu.memory_space<vmem_shared>>
      %dma_start3A_74 = arith.constant 0 : i32
      %dma_start3A_75 = tpu.memref_slice %arg9[%add3A_21, %dma_start3A_74] : memref<10240x128xf32, #tpu.memory_space<vmem_shared>> -> memref<128x128xf32, #tpu.memory_space<vmem_shared>>
      tpu.enqueue_dma source(%arg8 : memref<128x128xf32, #tpu.memory_space<vmem>>) target(%dma_start3A_75 : memref<128x128xf32, #tpu.memory_space<vmem_shared>>) target_semaphore(%run_scoped3A : memref<!tpu.dma_semaphore, #tpu.memory_space<semaphore_mem>>)
      %dma_wait3A = arith.constant 0 : i32
      %dma_wait3A_76 = tpu.memref_slice %arg9[%add3A_21, %dma_wait3A] : memref<10240x128xf32, #tpu.memory_space<vmem_shared>> -> memref<128x128xf32, #tpu.memory_space<vmem_shared>>
      %dma_wait3A_77 = arith.constant 0 : i32
      %dma_wait3A_78 = tpu.memref_slice %arg9[%add3A_21, %dma_wait3A_77] : memref<10240x128xf32, #tpu.memory_space<vmem_shared>> -> memref<128x128xf32, #tpu.memory_space<vmem_shared>>
      tpu.wait_dma2 semaphore(%run_scoped3A : memref<!tpu.dma_semaphore, #tpu.memory_space<semaphore_mem>>) src(%arg8 : memref<128x128xf32, #tpu.memory_space<vmem>>) dst(%dma_wait3A_78 : memref<128x128xf32, #tpu.memory_space<vmem_shared>>)
      tpu.yield
    }) : () -> ()
    %mul3A_22 = arith.constant 640 : i32
    %mul3A_23 = arith.muli %arg1, %mul3A_22 : i32
    %add3A_24 = arith.constant 512 : i32
    %add3A_25 = arith.addi %mul3A_23, %add3A_24 : i32
    "tpu.region"() ({
      %run_scoped3A = tpu.sem_alloc : memref<!tpu.dma_semaphore, #tpu.memory_space<semaphore_mem>>
      %dma_start3A = arith.constant 0 : i32
      %dma_start3A_73 = tpu.memref_slice %arg9[%add3A_25, %dma_start3A] : memref<10240x128xf32, #tpu.memory_space<vmem_shared>> -> memref<128x128xf32, #tpu.memory_space<vmem_shared>>
      %dma_start3A_74 = arith.constant 0 : i32
      %dma_start3A_75 = tpu.memref_slice %arg9[%add3A_25, %dma_start3A_74] : memref<10240x128xf32, #tpu.memory_space<vmem_shared>> -> memref<128x128xf32, #tpu.memory_space<vmem_shared>>
      tpu.enqueue_dma source(%arg8 : memref<128x128xf32, #tpu.memory_space<vmem>>) target(%dma_start3A_75 : memref<128x128xf32, #tpu.memory_space<vmem_shared>>) target_semaphore(%run_scoped3A : memref<!tpu.dma_semaphore, #tpu.memory_space<semaphore_mem>>)
      %dma_wait3A = arith.constant 0 : i32
      %dma_wait3A_76 = tpu.memref_slice %arg9[%add3A_25, %dma_wait3A] : memref<10240x128xf32, #tpu.memory_space<vmem_shared>> -> memref<128x128xf32, #tpu.memory_space<vmem_shared>>
      %dma_wait3A_77 = arith.constant 0 : i32
      %dma_wait3A_78 = tpu.memref_slice %arg9[%add3A_25, %dma_wait3A_77] : memref<10240x128xf32, #tpu.memory_space<vmem_shared>> -> memref<128x128xf32, #tpu.memory_space<vmem_shared>>
      tpu.wait_dma2 semaphore(%run_scoped3A : memref<!tpu.dma_semaphore, #tpu.memory_space<semaphore_mem>>) src(%arg8 : memref<128x128xf32, #tpu.memory_space<vmem>>) dst(%dma_wait3A_78 : memref<128x128xf32, #tpu.memory_space<vmem_shared>>)
      tpu.yield
    }) : () -> ()
    %barrier3A = arith.constant 0 : index
    tpu.barrier barrier_id(%barrier3A)
    %scan3A_26 = arith.constant 0 : i32
    %scan3A_27 = arith.constant 0 : i32
    %scan3A_28 = arith.constant 79 : i32
    %scan3A_29 = arith.addi %scan3A_27, %scan3A_28 : i32
    %scan3A_30 = arith.constant 1 : i32
    scf.for %scan3A_73 = %scan3A_27 to %scan3A_29 step %scan3A_30  : i32 {
      "tpu.region"() ({
        %run_scoped3A = tpu.sem_alloc : memref<!tpu.dma_semaphore, #tpu.memory_space<semaphore_mem>>
        %dma_start3A = arith.constant 0 : i32
        %dma_start3A_74 = tpu.memref_slice %arg6[%scan3A_73, %dma_start3A] : memref<79x128xi32, #tpu.memory_space<vmem>> -> memref<1x128xi32, #tpu.memory_space<vmem>>
        %dma_start3A_75 = tpu.memref_squeeze %dma_start3A_74 : memref<1x128xi32, #tpu.memory_space<vmem>> -> memref<128xi32, #tpu.memory_space<vmem>>
        %dma_start3A_76 = arith.constant 0 : i32
        %dma_start3A_77 = arith.constant 0 : i32
        %dma_start3A_78 = tpu.memref_slice %arg2[%dma_start3A_76, %dma_start3A_77] : memref<10240x128xf32, #tpu.memory_space<hbm>> -> memref<10240x128xf32, #tpu.memory_space<hbm>>
        tpu.enqueue_indirect_dma source(%dma_start3A_78 : memref<10240x128xf32, #tpu.memory_space<hbm>>) target(%arg8 : memref<128x128xf32, #tpu.memory_space<vmem>>) offsets(%dma_start3A_75 : memref<128xi32, #tpu.memory_space<vmem>>) semaphore(%run_scoped3A : memref<!tpu.dma_semaphore, #tpu.memory_space<semaphore_mem>>)
        %dma_wait3A = arith.constant 0 : i32
        %dma_wait3A_79 = tpu.memref_slice %arg6[%scan3A_73, %dma_wait3A] : memref<79x128xi32, #tpu.memory_space<vmem>> -> memref<1x128xi32, #tpu.memory_space<vmem>>
        %dma_wait3A_80 = tpu.memref_squeeze %dma_wait3A_79 : memref<1x128xi32, #tpu.memory_space<vmem>> -> memref<128xi32, #tpu.memory_space<vmem>>
        %dma_wait3A_81 = arith.constant 0 : i32
        %dma_wait3A_82 = arith.constant 0 : i32
        %dma_wait3A_83 = tpu.memref_slice %arg2[%dma_wait3A_81, %dma_wait3A_82] : memref<10240x128xf32, #tpu.memory_space<hbm>> -> memref<10240x128xf32, #tpu.memory_space<hbm>>
        tpu.wait_indirect_dma semaphore(%run_scoped3A : memref<!tpu.dma_semaphore, #tpu.memory_space<semaphore_mem>>) src(%dma_wait3A_83 : memref<10240x128xf32, #tpu.memory_space<hbm>>) dst(%arg8 : memref<128x128xf32, #tpu.memory_space<vmem>>)
        tpu.yield
      }) : () -> ()
      "tpu.region"() ({
        %run_scoped3A = tpu.sem_alloc : memref<!tpu.dma_semaphore, #tpu.memory_space<semaphore_mem>>
        %dma_start3A = arith.constant 0 : i32
        %dma_start3A_74 = tpu.memref_slice %arg7[%scan3A_73, %dma_start3A] : memref<79x128xi32, #tpu.memory_space<vmem>> -> memref<1x128xi32, #tpu.memory_space<vmem>>
        %dma_start3A_75 = tpu.memref_squeeze %dma_start3A_74 : memref<1x128xi32, #tpu.memory_space<vmem>> -> memref<128xi32, #tpu.memory_space<vmem>>
        %dma_start3A_76 = arith.constant 0 : i32
        %dma_start3A_77 = arith.constant 0 : i32
        %dma_start3A_78 = tpu.memref_slice %arg9[%dma_start3A_76, %dma_start3A_77] : memref<10240x128xf32, #tpu.memory_space<vmem_shared>> -> memref<10240x128xf32, #tpu.memory_space<vmem_shared>>
        tpu.enqueue_indirect_dma source(%arg8 : memref<128x128xf32, #tpu.memory_space<vmem>>) target(%dma_start3A_78 : memref<10240x128xf32, #tpu.memory_space<vmem_shared>>) offsets(%dma_start3A_75 : memref<128xi32, #tpu.memory_space<vmem>>) semaphore(%run_scoped3A : memref<!tpu.dma_semaphore, #tpu.memory_space<semaphore_mem>>) {add = true}
        %dma_wait3A = arith.constant 0 : i32
        %dma_wait3A_79 = tpu.memref_slice %arg7[%scan3A_73, %dma_wait3A] : memref<79x128xi32, #tpu.memory_space<vmem>> -> memref<1x128xi32, #tpu.memory_space<vmem>>
        %dma_wait3A_80 = tpu.memref_squeeze %dma_wait3A_79 : memref<1x128xi32, #tpu.memory_space<vmem>> -> memref<128xi32, #tpu.memory_space<vmem>>
        %dma_wait3A_81 = arith.constant 0 : i32
        %dma_wait3A_82 = arith.constant 0 : i32
        %dma_wait3A_83 = tpu.memref_slice %arg9[%dma_wait3A_81, %dma_wait3A_82] : memref<10240x128xf32, #tpu.memory_space<vmem_shared>> -> memref<10240x128xf32, #tpu.memory_space<vmem_shared>>
        tpu.wait_indirect_dma semaphore(%run_scoped3A : memref<!tpu.dma_semaphore, #tpu.memory_space<semaphore_mem>>) src(%arg8 : memref<128x128xf32, #tpu.memory_space<vmem>>) dst(%dma_wait3A_83 : memref<10240x128xf32, #tpu.memory_space<vmem_shared>>)
        tpu.yield
      }) : () -> ()
    }
    %scan3A_31 = arith.constant 79 : i32
    %barrier3A_32 = arith.constant 0 : index
    tpu.barrier barrier_id(%barrier3A_32)
    %mul3A_33 = arith.constant 640 : i32
    %mul3A_34 = arith.muli %arg1, %mul3A_33 : i32
    %add3A_35 = arith.constant 0 : i32
    %add3A_36 = arith.addi %mul3A_34, %add3A_35 : i32
    %mul3A_37 = arith.constant 640 : i32
    %mul3A_38 = arith.muli %arg1, %mul3A_37 : i32
    %add3A_39 = arith.constant 0 : i32
    %add3A_40 = arith.addi %mul3A_38, %add3A_39 : i32
    "tpu.region"() ({
      %run_scoped3A = tpu.sem_alloc : memref<!tpu.dma_semaphore, #tpu.memory_space<semaphore_mem>>
      %dma_start3A = arith.constant 0 : i32
      %dma_start3A_73 = tpu.memref_slice %arg5[%arg0, %add3A_40, %dma_start3A] : memref<2x10240x128xf32, #tpu.memory_space<hbm>> -> memref<1x128x128xf32, #tpu.memory_space<hbm>>
      %dma_start3A_74 = tpu.memref_squeeze %dma_start3A_73 : memref<1x128x128xf32, #tpu.memory_space<hbm>> -> memref<128x128xf32, #tpu.memory_space<hbm>>
      %dma_start3A_75 = arith.constant 0 : i32
      %dma_start3A_76 = tpu.memref_slice %arg9[%add3A_36, %dma_start3A_75] : memref<10240x128xf32, #tpu.memory_space<vmem_shared>> -> memref<128x128xf32, #tpu.memory_space<vmem_shared>>
      tpu.enqueue_dma source(%dma_start3A_76 : memref<128x128xf32, #tpu.memory_space<vmem_shared>>) target(%dma_start3A_74 : memref<128x128xf32, #tpu.memory_space<hbm>>) target_semaphore(%run_scoped3A : memref<!tpu.dma_semaphore, #tpu.memory_space<semaphore_mem>>)
      %dma_wait3A = arith.constant 0 : i32
      %dma_wait3A_77 = tpu.memref_slice %arg5[%arg0, %add3A_40, %dma_wait3A] : memref<2x10240x128xf32, #tpu.memory_space<hbm>> -> memref<1x128x128xf32, #tpu.memory_space<hbm>>
      %dma_wait3A_78 = tpu.memref_squeeze %dma_wait3A_77 : memref<1x128x128xf32, #tpu.memory_space<hbm>> -> memref<128x128xf32, #tpu.memory_space<hbm>>
      %dma_wait3A_79 = arith.constant 0 : i32
      %dma_wait3A_80 = tpu.memref_slice %arg9[%add3A_36, %dma_wait3A_79] : memref<10240x128xf32, #tpu.memory_space<vmem_shared>> -> memref<128x128xf32, #tpu.memory_space<vmem_shared>>
      tpu.wait_dma2 semaphore(%run_scoped3A : memref<!tpu.dma_semaphore, #tpu.memory_space<semaphore_mem>>) src(%dma_wait3A_80 : memref<128x128xf32, #tpu.memory_space<vmem_shared>>) dst(%dma_wait3A_78 : memref<128x128xf32, #tpu.memory_space<hbm>>)
      tpu.yield
    }) : () -> ()
    %mul3A_41 = arith.constant 640 : i32
    %mul3A_42 = arith.muli %arg1, %mul3A_41 : i32
    %add3A_43 = arith.constant 128 : i32
    %add3A_44 = arith.addi %mul3A_42, %add3A_43 : i32
    %mul3A_45 = arith.constant 640 : i32
    %mul3A_46 = arith.muli %arg1, %mul3A_45 : i32
    %add3A_47 = arith.constant 128 : i32
    %add3A_48 = arith.addi %mul3A_46, %add3A_47 : i32
    "tpu.region"() ({
      %run_scoped3A = tpu.sem_alloc : memref<!tpu.dma_semaphore, #tpu.memory_space<semaphore_mem>>
      %dma_start3A = arith.constant 0 : i32
      %dma_start3A_73 = tpu.memref_slice %arg5[%arg0, %add3A_48, %dma_start3A] : memref<2x10240x128xf32, #tpu.memory_space<hbm>> -> memref<1x128x128xf32, #tpu.memory_space<hbm>>
      %dma_start3A_74 = tpu.memref_squeeze %dma_start3A_73 : memref<1x128x128xf32, #tpu.memory_space<hbm>> -> memref<128x128xf32, #tpu.memory_space<hbm>>
      %dma_start3A_75 = arith.constant 0 : i32
      %dma_start3A_76 = tpu.memref_slice %arg9[%add3A_44, %dma_start3A_75] : memref<10240x128xf32, #tpu.memory_space<vmem_shared>> -> memref<128x128xf32, #tpu.memory_space<vmem_shared>>
      tpu.enqueue_dma source(%dma_start3A_76 : memref<128x128xf32, #tpu.memory_space<vmem_shared>>) target(%dma_start3A_74 : memref<128x128xf32, #tpu.memory_space<hbm>>) target_semaphore(%run_scoped3A : memref<!tpu.dma_semaphore, #tpu.memory_space<semaphore_mem>>)
      %dma_wait3A = arith.constant 0 : i32
      %dma_wait3A_77 = tpu.memref_slice %arg5[%arg0, %add3A_48, %dma_wait3A] : memref<2x10240x128xf32, #tpu.memory_space<hbm>> -> memref<1x128x128xf32, #tpu.memory_space<hbm>>
      %dma_wait3A_78 = tpu.memref_squeeze %dma_wait3A_77 : memref<1x128x128xf32, #tpu.memory_space<hbm>> -> memref<128x128xf32, #tpu.memory_space<hbm>>
      %dma_wait3A_79 = arith.constant 0 : i32
      %dma_wait3A_80 = tpu.memref_slice %arg9[%add3A_44, %dma_wait3A_79] : memref<10240x128xf32, #tpu.memory_space<vmem_shared>> -> memref<128x128xf32, #tpu.memory_space<vmem_shared>>
      tpu.wait_dma2 semaphore(%run_scoped3A : memref<!tpu.dma_semaphore, #tpu.memory_space<semaphore_mem>>) src(%dma_wait3A_80 : memref<128x128xf32, #tpu.memory_space<vmem_shared>>) dst(%dma_wait3A_78 : memref<128x128xf32, #tpu.memory_space<hbm>>)
      tpu.yield
    }) : () -> ()
    %mul3A_49 = arith.constant 640 : i32
    %mul3A_50 = arith.muli %arg1, %mul3A_49 : i32
    %add3A_51 = arith.constant 256 : i32
    %add3A_52 = arith.addi %mul3A_50, %add3A_51 : i32
    %mul3A_53 = arith.constant 640 : i32
    %mul3A_54 = arith.muli %arg1, %mul3A_53 : i32
    %add3A_55 = arith.constant 256 : i32
    %add3A_56 = arith.addi %mul3A_54, %add3A_55 : i32
    "tpu.region"() ({
      %run_scoped3A = tpu.sem_alloc : memref<!tpu.dma_semaphore, #tpu.memory_space<semaphore_mem>>
      %dma_start3A = arith.constant 0 : i32
      %dma_start3A_73 = tpu.memref_slice %arg5[%arg0, %add3A_56, %dma_start3A] : memref<2x10240x128xf32, #tpu.memory_space<hbm>> -> memref<1x128x128xf32, #tpu.memory_space<hbm>>
      %dma_start3A_74 = tpu.memref_squeeze %dma_start3A_73 : memref<1x128x128xf32, #tpu.memory_space<hbm>> -> memref<128x128xf32, #tpu.memory_space<hbm>>
      %dma_start3A_75 = arith.constant 0 : i32
      %dma_start3A_76 = tpu.memref_slice %arg9[%add3A_52, %dma_start3A_75] : memref<10240x128xf32, #tpu.memory_space<vmem_shared>> -> memref<128x128xf32, #tpu.memory_space<vmem_shared>>
      tpu.enqueue_dma source(%dma_start3A_76 : memref<128x128xf32, #tpu.memory_space<vmem_shared>>) target(%dma_start3A_74 : memref<128x128xf32, #tpu.memory_space<hbm>>) target_semaphore(%run_scoped3A : memref<!tpu.dma_semaphore, #tpu.memory_space<semaphore_mem>>)
      %dma_wait3A = arith.constant 0 : i32
      %dma_wait3A_77 = tpu.memref_slice %arg5[%arg0, %add3A_56, %dma_wait3A] : memref<2x10240x128xf32, #tpu.memory_space<hbm>> -> memref<1x128x128xf32, #tpu.memory_space<hbm>>
      %dma_wait3A_78 = tpu.memref_squeeze %dma_wait3A_77 : memref<1x128x128xf32, #tpu.memory_space<hbm>> -> memref<128x128xf32, #tpu.memory_space<hbm>>
      %dma_wait3A_79 = arith.constant 0 : i32
      %dma_wait3A_80 = tpu.memref_slice %arg9[%add3A_52, %dma_wait3A_79] : memref<10240x128xf32, #tpu.memory_space<vmem_shared>> -> memref<128x128xf32, #tpu.memory_space<vmem_shared>>
      tpu.wait_dma2 semaphore(%run_scoped3A : memref<!tpu.dma_semaphore, #tpu.memory_space<semaphore_mem>>) src(%dma_wait3A_80 : memref<128x128xf32, #tpu.memory_space<vmem_shared>>) dst(%dma_wait3A_78 : memref<128x128xf32, #tpu.memory_space<hbm>>)
      tpu.yield
    }) : () -> ()
    %mul3A_57 = arith.constant 640 : i32
    %mul3A_58 = arith.muli %arg1, %mul3A_57 : i32
    %add3A_59 = arith.constant 384 : i32
    %add3A_60 = arith.addi %mul3A_58, %add3A_59 : i32
    %mul3A_61 = arith.constant 640 : i32
    %mul3A_62 = arith.muli %arg1, %mul3A_61 : i32
    %add3A_63 = arith.constant 384 : i32
    %add3A_64 = arith.addi %mul3A_62, %add3A_63 : i32
    "tpu.region"() ({
      %run_scoped3A = tpu.sem_alloc : memref<!tpu.dma_semaphore, #tpu.memory_space<semaphore_mem>>
      %dma_start3A = arith.constant 0 : i32
      %dma_start3A_73 = tpu.memref_slice %arg5[%arg0, %add3A_64, %dma_start3A] : memref<2x10240x128xf32, #tpu.memory_space<hbm>> -> memref<1x128x128xf32, #tpu.memory_space<hbm>>
      %dma_start3A_74 = tpu.memref_squeeze %dma_start3A_73 : memref<1x128x128xf32, #tpu.memory_space<hbm>> -> memref<128x128xf32, #tpu.memory_space<hbm>>
      %dma_start3A_75 = arith.constant 0 : i32
      %dma_start3A_76 = tpu.memref_slice %arg9[%add3A_60, %dma_start3A_75] : memref<10240x128xf32, #tpu.memory_space<vmem_shared>> -> memref<128x128xf32, #tpu.memory_space<vmem_shared>>
      tpu.enqueue_dma source(%dma_start3A_76 : memref<128x128xf32, #tpu.memory_space<vmem_shared>>) target(%dma_start3A_74 : memref<128x128xf32, #tpu.memory_space<hbm>>) target_semaphore(%run_scoped3A : memref<!tpu.dma_semaphore, #tpu.memory_space<semaphore_mem>>)
      %dma_wait3A = arith.constant 0 : i32
      %dma_wait3A_77 = tpu.memref_slice %arg5[%arg0, %add3A_64, %dma_wait3A] : memref<2x10240x128xf32, #tpu.memory_space<hbm>> -> memref<1x128x128xf32, #tpu.memory_space<hbm>>
      %dma_wait3A_78 = tpu.memref_squeeze %dma_wait3A_77 : memref<1x128x128xf32, #tpu.memory_space<hbm>> -> memref<128x128xf32, #tpu.memory_space<hbm>>
      %dma_wait3A_79 = arith.constant 0 : i32
      %dma_wait3A_80 = tpu.memref_slice %arg9[%add3A_60, %dma_wait3A_79] : memref<10240x128xf32, #tpu.memory_space<vmem_shared>> -> memref<128x128xf32, #tpu.memory_space<vmem_shared>>
      tpu.wait_dma2 semaphore(%run_scoped3A : memref<!tpu.dma_semaphore, #tpu.memory_space<semaphore_mem>>) src(%dma_wait3A_80 : memref<128x128xf32, #tpu.memory_space<vmem_shared>>) dst(%dma_wait3A_78 : memref<128x128xf32, #tpu.memory_space<hbm>>)
      tpu.yield
    }) : () -> ()
    %mul3A_65 = arith.constant 640 : i32
    %mul3A_66 = arith.muli %arg1, %mul3A_65 : i32
    %add3A_67 = arith.constant 512 : i32
    %add3A_68 = arith.addi %mul3A_66, %add3A_67 : i32
    %mul3A_69 = arith.constant 640 : i32
    %mul3A_70 = arith.muli %arg1, %mul3A_69 : i32
    %add3A_71 = arith.constant 512 : i32
    %add3A_72 = arith.addi %mul3A_70, %add3A_71 : i32
    "tpu.region"() ({
      %run_scoped3A = tpu.sem_alloc : memref<!tpu.dma_semaphore, #tpu.memory_space<semaphore_mem>>
      %dma_start3A = arith.constant 0 : i32
      %dma_start3A_73 = tpu.memref_slice %arg5[%arg0, %add3A_72, %dma_start3A] : memref<2x10240x128xf32, #tpu.memory_space<hbm>> -> memref<1x128x128xf32, #tpu.memory_space<hbm>>
      %dma_start3A_74 = tpu.memref_squeeze %dma_start3A_73 : memref<1x128x128xf32, #tpu.memory_space<hbm>> -> memref<128x128xf32, #tpu.memory_space<hbm>>
      %dma_start3A_75 = arith.constant 0 : i32
      %dma_start3A_76 = tpu.memref_slice %arg9[%add3A_68, %dma_start3A_75] : memref<10240x128xf32, #tpu.memory_space<vmem_shared>> -> memref<128x128xf32, #tpu.memory_space<vmem_shared>>
      tpu.enqueue_dma source(%dma_start3A_76 : memref<128x128xf32, #tpu.memory_space<vmem_shared>>) target(%dma_start3A_74 : memref<128x128xf32, #tpu.memory_space<hbm>>) target_semaphore(%run_scoped3A : memref<!tpu.dma_semaphore, #tpu.memory_space<semaphore_mem>>)
      %dma_wait3A = arith.constant 0 : i32
      %dma_wait3A_77 = tpu.memref_slice %arg5[%arg0, %add3A_72, %dma_wait3A] : memref<2x10240x128xf32, #tpu.memory_space<hbm>> -> memref<1x128x128xf32, #tpu.memory_space<hbm>>
      %dma_wait3A_78 = tpu.memref_squeeze %dma_wait3A_77 : memref<1x128x128xf32, #tpu.memory_space<hbm>> -> memref<128x128xf32, #tpu.memory_space<hbm>>
      %dma_wait3A_79 = arith.constant 0 : i32
      %dma_wait3A_80 = tpu.memref_slice %arg9[%add3A_68, %dma_wait3A_79] : memref<10240x128xf32, #tpu.memory_space<vmem_shared>> -> memref<128x128xf32, #tpu.memory_space<vmem_shared>>
      tpu.wait_dma2 semaphore(%run_scoped3A : memref<!tpu.dma_semaphore, #tpu.memory_space<semaphore_mem>>) src(%dma_wait3A_80 : memref<128x128xf32, #tpu.memory_space<vmem_shared>>) dst(%dma_wait3A_78 : memref<128x128xf32, #tpu.memory_space<hbm>>)
      tpu.yield
    }) : () -> ()
    return
  }
}

#map = affine_map<(d0, d1) -> (0, 0)>
#map1 = affine_map<(d0, d1) -> (0, 0, 0)>
module attributes {stable_mosaic.version = 14 : i64} {
  func.func @_hop_body(%arg0: i32, %arg1: i32, %arg2: memref<10240x128xf32, #tpu.memory_space<hbm>>, %arg3: memref<32x79x128xi32, #tpu.memory_space<hbm>>, %arg4: memref<32x79x128xi32, #tpu.memory_space<hbm>>, %arg5: memref<2x10240x128xf32, #tpu.memory_space<hbm>>, %arg6: memref<79x128xi32, #tpu.memory_space<vmem>>, %arg7: memref<79x128xi32, #tpu.memory_space<vmem>>, %arg8: memref<128x128xf32, #tpu.memory_space<vmem>>, %arg9: memref<10240x128xf32, #tpu.memory_space<vmem_shared>>) attributes {dimension_semantics = [#tpu.dimension_semantics<core_parallel>, #tpu.dimension_semantics<subcore_parallel>], iteration_bounds = array<i64: 2, 16>, scalar_prefetch = 0 : i64, scratch_operands = 4 : i64, tpu.core_type = #tpu.core_type<sc_vector_subcore>, window_params = [{transform_indices = #map}, {transform_indices = #map1}, {transform_indices = #map1}, {transform_indices = #map1}]} {
    %mul3A = arith.constant 16 : i32
    %mul3A_0 = arith.muli %arg0, %mul3A : i32
    %add3A = arith.addi %mul3A_0, %arg1 : i32
    "tpu.region"() ({
      %run_scoped3A = tpu.sem_alloc : memref<!tpu.dma_semaphore, #tpu.memory_space<semaphore_mem>>
      %dma_start3A = arith.constant 0 : i32
      %dma_start3A_73 = arith.constant 0 : i32
      %dma_start3A_74 = tpu.memref_slice %arg3[%add3A, %dma_start3A, %dma_start3A_73] : memref<32x79x128xi32, #tpu.memory_space<hbm>> -> memref<1x79x128xi32, #tpu.memory_space<hbm>>
      %dma_start3A_75 = tpu.memref_squeeze %dma_start3A_74 : memref<1x79x128xi32, #tpu.memory_space<hbm>> -> memref<79x128xi32, #tpu.memory_space<hbm>>
      %dma_start3A_76 = arith.constant 0 : i32
      %dma_start3A_77 = arith.constant 0 : i32
      %dma_start3A_78 = tpu.memref_slice %arg3[%add3A, %dma_start3A_76, %dma_start3A_77] : memref<32x79x128xi32, #tpu.memory_space<hbm>> -> memref<1x79x128xi32, #tpu.memory_space<hbm>>
      %dma_start3A_79 = tpu.memref_squeeze %dma_start3A_78 : memref<1x79x128xi32, #tpu.memory_space<hbm>> -> memref<79x128xi32, #tpu.memory_space<hbm>>
      tpu.enqueue_dma source(%dma_start3A_79 : memref<79x128xi32, #tpu.memory_space<hbm>>) target(%arg6 : memref<79x128xi32, #tpu.memory_space<vmem>>) target_semaphore(%run_scoped3A : memref<!tpu.dma_semaphore, #tpu.memory_space<semaphore_mem>>)
      %dma_wait3A = arith.constant 0 : i32
      %dma_wait3A_80 = arith.constant 0 : i32
      %dma_wait3A_81 = tpu.memref_slice %arg3[%add3A, %dma_wait3A, %dma_wait3A_80] : memref<32x79x128xi32, #tpu.memory_space<hbm>> -> memref<1x79x128xi32, #tpu.memory_space<hbm>>
      %dma_wait3A_82 = tpu.memref_squeeze %dma_wait3A_81 : memref<1x79x128xi32, #tpu.memory_space<hbm>> -> memref<79x128xi32, #tpu.memory_space<hbm>>
      %dma_wait3A_83 = arith.constant 0 : i32
      %dma_wait3A_84 = arith.constant 0 : i32
      %dma_wait3A_85 = tpu.memref_slice %arg3[%add3A, %dma_wait3A_83, %dma_wait3A_84] : memref<32x79x128xi32, #tpu.memory_space<hbm>> -> memref<1x79x128xi32, #tpu.memory_space<hbm>>
      %dma_wait3A_86 = tpu.memref_squeeze %dma_wait3A_85 : memref<1x79x128xi32, #tpu.memory_space<hbm>> -> memref<79x128xi32, #tpu.memory_space<hbm>>
      tpu.wait_dma2 semaphore(%run_scoped3A : memref<!tpu.dma_semaphore, #tpu.memory_space<semaphore_mem>>) src(%dma_wait3A_86 : memref<79x128xi32, #tpu.memory_space<hbm>>) dst(%arg6 : memref<79x128xi32, #tpu.memory_space<vmem>>)
      tpu.yield
    }) : () -> ()
    "tpu.region"() ({
      %run_scoped3A = tpu.sem_alloc : memref<!tpu.dma_semaphore, #tpu.memory_space<semaphore_mem>>
      %dma_start3A = arith.constant 0 : i32
      %dma_start3A_73 = arith.constant 0 : i32
      %dma_start3A_74 = tpu.memref_slice %arg4[%add3A, %dma_start3A, %dma_start3A_73] : memref<32x79x128xi32, #tpu.memory_space<hbm>> -> memref<1x79x128xi32, #tpu.memory_space<hbm>>
      %dma_start3A_75 = tpu.memref_squeeze %dma_start3A_74 : memref<1x79x128xi32, #tpu.memory_space<hbm>> -> memref<79x128xi32, #tpu.memory_space<hbm>>
      %dma_start3A_76 = arith.constant 0 : i32
      %dma_start3A_77 = arith.constant 0 : i32
      %dma_start3A_78 = tpu.memref_slice %arg4[%add3A, %dma_start3A_76, %dma_start3A_77] : memref<32x79x128xi32, #tpu.memory_space<hbm>> -> memref<1x79x128xi32, #tpu.memory_space<hbm>>
      %dma_start3A_79 = tpu.memref_squeeze %dma_start3A_78 : memref<1x79x128xi32, #tpu.memory_space<hbm>> -> memref<79x128xi32, #tpu.memory_space<hbm>>
      tpu.enqueue_dma source(%dma_start3A_79 : memref<79x128xi32, #tpu.memory_space<hbm>>) target(%arg7 : memref<79x128xi32, #tpu.memory_space<vmem>>) target_semaphore(%run_scoped3A : memref<!tpu.dma_semaphore, #tpu.memory_space<semaphore_mem>>)
      %dma_wait3A = arith.constant 0 : i32
      %dma_wait3A_80 = arith.constant 0 : i32
      %dma_wait3A_81 = tpu.memref_slice %arg4[%add3A, %dma_wait3A, %dma_wait3A_80] : memref<32x79x128xi32, #tpu.memory_space<hbm>> -> memref<1x79x128xi32, #tpu.memory_space<hbm>>
      %dma_wait3A_82 = tpu.memref_squeeze %dma_wait3A_81 : memref<1x79x128xi32, #tpu.memory_space<hbm>> -> memref<79x128xi32, #tpu.memory_space<hbm>>
      %dma_wait3A_83 = arith.constant 0 : i32
      %dma_wait3A_84 = arith.constant 0 : i32
      %dma_wait3A_85 = tpu.memref_slice %arg4[%add3A, %dma_wait3A_83, %dma_wait3A_84] : memref<32x79x128xi32, #tpu.memory_space<hbm>> -> memref<1x79x128xi32, #tpu.memory_space<hbm>>
      %dma_wait3A_86 = tpu.memref_squeeze %dma_wait3A_85 : memref<1x79x128xi32, #tpu.memory_space<hbm>> -> memref<79x128xi32, #tpu.memory_space<hbm>>
      tpu.wait_dma2 semaphore(%run_scoped3A : memref<!tpu.dma_semaphore, #tpu.memory_space<semaphore_mem>>) src(%dma_wait3A_86 : memref<79x128xi32, #tpu.memory_space<hbm>>) dst(%arg7 : memref<79x128xi32, #tpu.memory_space<vmem>>)
      tpu.yield
    }) : () -> ()
    %scan3A = arith.constant 0 : i32
    %scan3A_1 = arith.constant 0 : i32
    %scan3A_2 = arith.constant 128 : i32
    %scan3A_3 = arith.addi %scan3A_1, %scan3A_2 : i32
    %scan3A_4 = arith.constant 1 : i32
    scf.for %scan3A_73 = %scan3A_1 to %scan3A_3 step %scan3A_4  : i32 {
      %broadcast_in_dim3A = arith.constant 0.000000e+00 : f32
      %broadcast_in_dim3A_74 = vector.broadcast %broadcast_in_dim3A : f32 to vector<16xf32>
      %swap3A = arith.index_cast %scan3A_73 : i32 to index
      %swap3A_75 = arith.constant 0 : index
      %swap3A_76 = tpu.vector_load %arg8[%swap3A, %swap3A_75] {strides = array<i32>} : memref<128x128xf32, #tpu.memory_space<vmem>>, vector<1x16xf32>,
      %swap3A_77 = vector.shape_cast %swap3A_76 : vector<1x16xf32> to vector<16xf32>
      %swap3A_78 = vector.shape_cast %broadcast_in_dim3A_74 : vector<16xf32> to vector<1x16xf32>
      tpu.vector_store %arg8[%swap3A, %swap3A_75], %swap3A_78 {strides = array<i32>} : memref<128x128xf32, #tpu.memory_space<vmem>>, vector<1x16xf32>,
      %broadcast_in_dim3A_79 = arith.constant 0.000000e+00 : f32
      %broadcast_in_dim3A_80 = vector.broadcast %broadcast_in_dim3A_79 : f32 to vector<16xf32>
      %swap3A_81 = arith.index_cast %scan3A_73 : i32 to index
      %swap3A_82 = arith.constant 16 : index
      %swap3A_83 = tpu.vector_load %arg8[%swap3A_81, %swap3A_82] {strides = array<i32>} : memref<128x128xf32, #tpu.memory_space<vmem>>, vector<1x16xf32>,
      %swap3A_84 = vector.shape_cast %swap3A_83 : vector<1x16xf32> to vector<16xf32>
      %swap3A_85 = vector.shape_cast %broadcast_in_dim3A_80 : vector<16xf32> to vector<1x16xf32>
      tpu.vector_store %arg8[%swap3A_81, %swap3A_82], %swap3A_85 {strides = array<i32>} : memref<128x128xf32, #tpu.memory_space<vmem>>, vector<1x16xf32>,
      %broadcast_in_dim3A_86 = arith.constant 0.000000e+00 : f32
      %broadcast_in_dim3A_87 = vector.broadcast %broadcast_in_dim3A_86 : f32 to vector<16xf32>
      %swap3A_88 = arith.index_cast %scan3A_73 : i32 to index
      %swap3A_89 = arith.constant 32 : index
      %swap3A_90 = tpu.vector_load %arg8[%swap3A_88, %swap3A_89] {strides = array<i32>} : memref<128x128xf32, #tpu.memory_space<vmem>>, vector<1x16xf32>,
      %swap3A_91 = vector.shape_cast %swap3A_90 : vector<1x16xf32> to vector<16xf32>
      %swap3A_92 = vector.shape_cast %broadcast_in_dim3A_87 : vector<16xf32> to vector<1x16xf32>
      tpu.vector_store %arg8[%swap3A_88, %swap3A_89], %swap3A_92 {strides = array<i32>} : memref<128x128xf32, #tpu.memory_space<vmem>>, vector<1x16xf32>,
      %broadcast_in_dim3A_93 = arith.constant 0.000000e+00 : f32
      %broadcast_in_dim3A_94 = vector.broadcast %broadcast_in_dim3A_93 : f32 to vector<16xf32>
      %swap3A_95 = arith.index_cast %scan3A_73 : i32 to index
      %swap3A_96 = arith.constant 48 : index
      %swap3A_97 = tpu.vector_load %arg8[%swap3A_95, %swap3A_96] {strides = array<i32>} : memref<128x128xf32, #tpu.memory_space<vmem>>, vector<1x16xf32>,
      %swap3A_98 = vector.shape_cast %swap3A_97 : vector<1x16xf32> to vector<16xf32>
      %swap3A_99 = vector.shape_cast %broadcast_in_dim3A_94 : vector<16xf32> to vector<1x16xf32>
      tpu.vector_store %arg8[%swap3A_95, %swap3A_96], %swap3A_99 {strides = array<i32>} : memref<128x128xf32, #tpu.memory_space<vmem>>, vector<1x16xf32>,
      %broadcast_in_dim3A_100 = arith.constant 0.000000e+00 : f32
      %broadcast_in_dim3A_101 = vector.broadcast %broadcast_in_dim3A_100 : f32 to vector<16xf32>
      %swap3A_102 = arith.index_cast %scan3A_73 : i32 to index
      %swap3A_103 = arith.constant 64 : index
      %swap3A_104 = tpu.vector_load %arg8[%swap3A_102, %swap3A_103] {strides = array<i32>} : memref<128x128xf32, #tpu.memory_space<vmem>>, vector<1x16xf32>,
      %swap3A_105 = vector.shape_cast %swap3A_104 : vector<1x16xf32> to vector<16xf32>
      %swap3A_106 = vector.shape_cast %broadcast_in_dim3A_101 : vector<16xf32> to vector<1x16xf32>
      tpu.vector_store %arg8[%swap3A_102, %swap3A_103], %swap3A_106 {strides = array<i32>} : memref<128x128xf32, #tpu.memory_space<vmem>>, vector<1x16xf32>,
      %broadcast_in_dim3A_107 = arith.constant 0.000000e+00 : f32
      %broadcast_in_dim3A_108 = vector.broadcast %broadcast_in_dim3A_107 : f32 to vector<16xf32>
      %swap3A_109 = arith.index_cast %scan3A_73 : i32 to index
      %swap3A_110 = arith.constant 80 : index
      %swap3A_111 = tpu.vector_load %arg8[%swap3A_109, %swap3A_110] {strides = array<i32>} : memref<128x128xf32, #tpu.memory_space<vmem>>, vector<1x16xf32>,
      %swap3A_112 = vector.shape_cast %swap3A_111 : vector<1x16xf32> to vector<16xf32>
      %swap3A_113 = vector.shape_cast %broadcast_in_dim3A_108 : vector<16xf32> to vector<1x16xf32>
      tpu.vector_store %arg8[%swap3A_109, %swap3A_110], %swap3A_113 {strides = array<i32>} : memref<128x128xf32, #tpu.memory_space<vmem>>, vector<1x16xf32>,
      %broadcast_in_dim3A_114 = arith.constant 0.000000e+00 : f32
      %broadcast_in_dim3A_115 = vector.broadcast %broadcast_in_dim3A_114 : f32 to vector<16xf32>
      %swap3A_116 = arith.index_cast %scan3A_73 : i32 to index
      %swap3A_117 = arith.constant 96 : index
      %swap3A_118 = tpu.vector_load %arg8[%swap3A_116, %swap3A_117] {strides = array<i32>} : memref<128x128xf32, #tpu.memory_space<vmem>>, vector<1x16xf32>,
      %swap3A_119 = vector.shape_cast %swap3A_118 : vector<1x16xf32> to vector<16xf32>
      %swap3A_120 = vector.shape_cast %broadcast_in_dim3A_115 : vector<16xf32> to vector<1x16xf32>
      tpu.vector_store %arg8[%swap3A_116, %swap3A_117], %swap3A_120 {strides = array<i32>} : memref<128x128xf32, #tpu.memory_space<vmem>>, vector<1x16xf32>,
      %broadcast_in_dim3A_121 = arith.constant 0.000000e+00 : f32
      %broadcast_in_dim3A_122 = vector.broadcast %broadcast_in_dim3A_121 : f32 to vector<16xf32>
      %swap3A_123 = arith.index_cast %scan3A_73 : i32 to index
      %swap3A_124 = arith.constant 112 : index
      %swap3A_125 = tpu.vector_load %arg8[%swap3A_123, %swap3A_124] {strides = array<i32>} : memref<128x128xf32, #tpu.memory_space<vmem>>, vector<1x16xf32>,
      %swap3A_126 = vector.shape_cast %swap3A_125 : vector<1x16xf32> to vector<16xf32>
      %swap3A_127 = vector.shape_cast %broadcast_in_dim3A_122 : vector<16xf32> to vector<1x16xf32>
      tpu.vector_store %arg8[%swap3A_123, %swap3A_124], %swap3A_127 {strides = array<i32>} : memref<128x128xf32, #tpu.memory_space<vmem>>, vector<1x16xf32>,
    }
    %scan3A_5 = arith.constant 128 : i32
    %mul3A_6 = arith.constant 640 : i32
    %mul3A_7 = arith.muli %arg1, %mul3A_6 : i32
    %add3A_8 = arith.constant 0 : i32
    %add3A_9 = arith.addi %mul3A_7, %add3A_8 : i32
    "tpu.region"() ({
      %run_scoped3A = tpu.sem_alloc : memref<!tpu.dma_semaphore, #tpu.memory_space<semaphore_mem>>
      %dma_start3A = arith.constant 0 : i32
      %dma_start3A_73 = tpu.memref_slice %arg9[%add3A_9, %dma_start3A] : memref<10240x128xf32, #tpu.memory_space<vmem_shared>> -> memref<128x128xf32, #tpu.memory_space<vmem_shared>>
      %dma_start3A_74 = arith.constant 0 : i32
      %dma_start3A_75 = tpu.memref_slice %arg9[%add3A_9, %dma_start3A_74] : memref<10240x128xf32, #tpu.memory_space<vmem_shared>> -> memref<128x128xf32, #tpu.memory_space<vmem_shared>>
      tpu.enqueue_dma source(%arg8 : memref<128x128xf32, #tpu.memory_space<vmem>>) target(%dma_start3A_75 : memref<128x128xf32, #tpu.memory_space<vmem_shared>>) target_semaphore(%run_scoped3A : memref<!tpu.dma_semaphore, #tpu.memory_space<semaphore_mem>>)
      %dma_wait3A = arith.constant 0 : i32
      %dma_wait3A_76 = tpu.memref_slice %arg9[%add3A_9, %dma_wait3A] : memref<10240x128xf32, #tpu.memory_space<vmem_shared>> -> memref<128x128xf32, #tpu.memory_space<vmem_shared>>
      %dma_wait3A_77 = arith.constant 0 : i32
      %dma_wait3A_78 = tpu.memref_slice %arg9[%add3A_9, %dma_wait3A_77] : memref<10240x128xf32, #tpu.memory_space<vmem_shared>> -> memref<128x128xf32, #tpu.memory_space<vmem_shared>>
      tpu.wait_dma2 semaphore(%run_scoped3A : memref<!tpu.dma_semaphore, #tpu.memory_space<semaphore_mem>>) src(%arg8 : memref<128x128xf32, #tpu.memory_space<vmem>>) dst(%dma_wait3A_78 : memref<128x128xf32, #tpu.memory_space<vmem_shared>>)
      tpu.yield
    }) : () -> ()
    %mul3A_10 = arith.constant 640 : i32
    %mul3A_11 = arith.muli %arg1, %mul3A_10 : i32
    %add3A_12 = arith.constant 128 : i32
    %add3A_13 = arith.addi %mul3A_11, %add3A_12 : i32
    "tpu.region"() ({
      %run_scoped3A = tpu.sem_alloc : memref<!tpu.dma_semaphore, #tpu.memory_space<semaphore_mem>>
      %dma_start3A = arith.constant 0 : i32
      %dma_start3A_73 = tpu.memref_slice %arg9[%add3A_13, %dma_start3A] : memref<10240x128xf32, #tpu.memory_space<vmem_shared>> -> memref<128x128xf32, #tpu.memory_space<vmem_shared>>
      %dma_start3A_74 = arith.constant 0 : i32
      %dma_start3A_75 = tpu.memref_slice %arg9[%add3A_13, %dma_start3A_74] : memref<10240x128xf32, #tpu.memory_space<vmem_shared>> -> memref<128x128xf32, #tpu.memory_space<vmem_shared>>
      tpu.enqueue_dma source(%arg8 : memref<128x128xf32, #tpu.memory_space<vmem>>) target(%dma_start3A_75 : memref<128x128xf32, #tpu.memory_space<vmem_shared>>) target_semaphore(%run_scoped3A : memref<!tpu.dma_semaphore, #tpu.memory_space<semaphore_mem>>)
      %dma_wait3A = arith.constant 0 : i32
      %dma_wait3A_76 = tpu.memref_slice %arg9[%add3A_13, %dma_wait3A] : memref<10240x128xf32, #tpu.memory_space<vmem_shared>> -> memref<128x128xf32, #tpu.memory_space<vmem_shared>>
      %dma_wait3A_77 = arith.constant 0 : i32
      %dma_wait3A_78 = tpu.memref_slice %arg9[%add3A_13, %dma_wait3A_77] : memref<10240x128xf32, #tpu.memory_space<vmem_shared>> -> memref<128x128xf32, #tpu.memory_space<vmem_shared>>
      tpu.wait_dma2 semaphore(%run_scoped3A : memref<!tpu.dma_semaphore, #tpu.memory_space<semaphore_mem>>) src(%arg8 : memref<128x128xf32, #tpu.memory_space<vmem>>) dst(%dma_wait3A_78 : memref<128x128xf32, #tpu.memory_space<vmem_shared>>)
      tpu.yield
    }) : () -> ()
    %mul3A_14 = arith.constant 640 : i32
    %mul3A_15 = arith.muli %arg1, %mul3A_14 : i32
    %add3A_16 = arith.constant 256 : i32
    %add3A_17 = arith.addi %mul3A_15, %add3A_16 : i32
    "tpu.region"() ({
      %run_scoped3A = tpu.sem_alloc : memref<!tpu.dma_semaphore, #tpu.memory_space<semaphore_mem>>
      %dma_start3A = arith.constant 0 : i32
      %dma_start3A_73 = tpu.memref_slice %arg9[%add3A_17, %dma_start3A] : memref<10240x128xf32, #tpu.memory_space<vmem_shared>> -> memref<128x128xf32, #tpu.memory_space<vmem_shared>>
      %dma_start3A_74 = arith.constant 0 : i32
      %dma_start3A_75 = tpu.memref_slice %arg9[%add3A_17, %dma_start3A_74] : memref<10240x128xf32, #tpu.memory_space<vmem_shared>> -> memref<128x128xf32, #tpu.memory_space<vmem_shared>>
      tpu.enqueue_dma source(%arg8 : memref<128x128xf32, #tpu.memory_space<vmem>>) target(%dma_start3A_75 : memref<128x128xf32, #tpu.memory_space<vmem_shared>>) target_semaphore(%run_scoped3A : memref<!tpu.dma_semaphore, #tpu.memory_space<semaphore_mem>>)
      %dma_wait3A = arith.constant 0 : i32
      %dma_wait3A_76 = tpu.memref_slice %arg9[%add3A_17, %dma_wait3A] : memref<10240x128xf32, #tpu.memory_space<vmem_shared>> -> memref<128x128xf32, #tpu.memory_space<vmem_shared>>
      %dma_wait3A_77 = arith.constant 0 : i32
      %dma_wait3A_78 = tpu.memref_slice %arg9[%add3A_17, %dma_wait3A_77] : memref<10240x128xf32, #tpu.memory_space<vmem_shared>> -> memref<128x128xf32, #tpu.memory_space<vmem_shared>>
      tpu.wait_dma2 semaphore(%run_scoped3A : memref<!tpu.dma_semaphore, #tpu.memory_space<semaphore_mem>>) src(%arg8 : memref<128x128xf32, #tpu.memory_space<vmem>>) dst(%dma_wait3A_78 : memref<128x128xf32, #tpu.memory_space<vmem_shared>>)
      tpu.yield
    }) : () -> ()
    %mul3A_18 = arith.constant 640 : i32
    %mul3A_19 = arith.muli %arg1, %mul3A_18 : i32
    %add3A_20 = arith.constant 384 : i32
    %add3A_21 = arith.addi %mul3A_19, %add3A_20 : i32
    "tpu.region"() ({
      %run_scoped3A = tpu.sem_alloc : memref<!tpu.dma_semaphore, #tpu.memory_space<semaphore_mem>>
      %dma_start3A = arith.constant 0 : i32
      %dma_start3A_73 = tpu.memref_slice %arg9[%add3A_21, %dma_start3A] : memref<10240x128xf32, #tpu.memory_space<vmem_shared>> -> memref<128x128xf32, #tpu.memory_space<vmem_shared>>
      %dma_start3A_74 = arith.constant 0 : i32
      %dma_start3A_75 = tpu.memref_slice %arg9[%add3A_21, %dma_start3A_74] : memref<10240x128xf32, #tpu.memory_space<vmem_shared>> -> memref<128x128xf32, #tpu.memory_space<vmem_shared>>
      tpu.enqueue_dma source(%arg8 : memref<128x128xf32, #tpu.memory_space<vmem>>) target(%dma_start3A_75 : memref<128x128xf32, #tpu.memory_space<vmem_shared>>) target_semaphore(%run_scoped3A : memref<!tpu.dma_semaphore, #tpu.memory_space<semaphore_mem>>)
      %dma_wait3A = arith.constant 0 : i32
      %dma_wait3A_76 = tpu.memref_slice %arg9[%add3A_21, %dma_wait3A] : memref<10240x128xf32, #tpu.memory_space<vmem_shared>> -> memref<128x128xf32, #tpu.memory_space<vmem_shared>>
      %dma_wait3A_77 = arith.constant 0 : i32
      %dma_wait3A_78 = tpu.memref_slice %arg9[%add3A_21, %dma_wait3A_77] : memref<10240x128xf32, #tpu.memory_space<vmem_shared>> -> memref<128x128xf32, #tpu.memory_space<vmem_shared>>
      tpu.wait_dma2 semaphore(%run_scoped3A : memref<!tpu.dma_semaphore, #tpu.memory_space<semaphore_mem>>) src(%arg8 : memref<128x128xf32, #tpu.memory_space<vmem>>) dst(%dma_wait3A_78 : memref<128x128xf32, #tpu.memory_space<vmem_shared>>)
      tpu.yield
    }) : () -> ()
    %mul3A_22 = arith.constant 640 : i32
    %mul3A_23 = arith.muli %arg1, %mul3A_22 : i32
    %add3A_24 = arith.constant 512 : i32
    %add3A_25 = arith.addi %mul3A_23, %add3A_24 : i32
    "tpu.region"() ({
      %run_scoped3A = tpu.sem_alloc : memref<!tpu.dma_semaphore, #tpu.memory_space<semaphore_mem>>
      %dma_start3A = arith.constant 0 : i32
      %dma_start3A_73 = tpu.memref_slice %arg9[%add3A_25, %dma_start3A] : memref<10240x128xf32, #tpu.memory_space<vmem_shared>> -> memref<128x128xf32, #tpu.memory_space<vmem_shared>>
      %dma_start3A_74 = arith.constant 0 : i32
      %dma_start3A_75 = tpu.memref_slice %arg9[%add3A_25, %dma_start3A_74] : memref<10240x128xf32, #tpu.memory_space<vmem_shared>> -> memref<128x128xf32, #tpu.memory_space<vmem_shared>>
      tpu.enqueue_dma source(%arg8 : memref<128x128xf32, #tpu.memory_space<vmem>>) target(%dma_start3A_75 : memref<128x128xf32, #tpu.memory_space<vmem_shared>>) target_semaphore(%run_scoped3A : memref<!tpu.dma_semaphore, #tpu.memory_space<semaphore_mem>>)
      %dma_wait3A = arith.constant 0 : i32
      %dma_wait3A_76 = tpu.memref_slice %arg9[%add3A_25, %dma_wait3A] : memref<10240x128xf32, #tpu.memory_space<vmem_shared>> -> memref<128x128xf32, #tpu.memory_space<vmem_shared>>
      %dma_wait3A_77 = arith.constant 0 : i32
      %dma_wait3A_78 = tpu.memref_slice %arg9[%add3A_25, %dma_wait3A_77] : memref<10240x128xf32, #tpu.memory_space<vmem_shared>> -> memref<128x128xf32, #tpu.memory_space<vmem_shared>>
      tpu.wait_dma2 semaphore(%run_scoped3A : memref<!tpu.dma_semaphore, #tpu.memory_space<semaphore_mem>>) src(%arg8 : memref<128x128xf32, #tpu.memory_space<vmem>>) dst(%dma_wait3A_78 : memref<128x128xf32, #tpu.memory_space<vmem_shared>>)
      tpu.yield
    }) : () -> ()
    %barrier3A = arith.constant 0 : index
    tpu.barrier barrier_id(%barrier3A)
    %scan3A_26 = arith.constant 0 : i32
    %scan3A_27 = arith.constant 0 : i32
    %scan3A_28 = arith.constant 79 : i32
    %scan3A_29 = arith.addi %scan3A_27, %scan3A_28 : i32
    %scan3A_30 = arith.constant 1 : i32
    scf.for %scan3A_73 = %scan3A_27 to %scan3A_29 step %scan3A_30  : i32 {
      "tpu.region"() ({
        %run_scoped3A = tpu.sem_alloc : memref<!tpu.dma_semaphore, #tpu.memory_space<semaphore_mem>>
        %dma_start3A = arith.constant 0 : i32
        %dma_start3A_74 = tpu.memref_slice %arg6[%scan3A_73, %dma_start3A] : memref<79x128xi32, #tpu.memory_space<vmem>> -> memref<1x128xi32, #tpu.memory_space<vmem>>
        %dma_start3A_75 = tpu.memref_squeeze %dma_start3A_74 : memref<1x128xi32, #tpu.memory_space<vmem>> -> memref<128xi32, #tpu.memory_space<vmem>>
        %dma_start3A_76 = arith.constant 0 : i32
        %dma_start3A_77 = arith.constant 0 : i32
        %dma_start3A_78 = tpu.memref_slice %arg2[%dma_start3A_76, %dma_start3A_77] : memref<10240x128xf32, #tpu.memory_space<hbm>> -> memref<10240x128xf32, #tpu.memory_space<hbm>>
        tpu.enqueue_indirect_dma source(%dma_start3A_78 : memref<10240x128xf32, #tpu.memory_space<hbm>>) target(%arg8 : memref<128x128xf32, #tpu.memory_space<vmem>>) offsets(%dma_start3A_75 : memref<128xi32, #tpu.memory_space<vmem>>) semaphore(%run_scoped3A : memref<!tpu.dma_semaphore, #tpu.memory_space<semaphore_mem>>)
        %dma_wait3A = arith.constant 0 : i32
        %dma_wait3A_79 = tpu.memref_slice %arg6[%scan3A_73, %dma_wait3A] : memref<79x128xi32, #tpu.memory_space<vmem>> -> memref<1x128xi32, #tpu.memory_space<vmem>>
        %dma_wait3A_80 = tpu.memref_squeeze %dma_wait3A_79 : memref<1x128xi32, #tpu.memory_space<vmem>> -> memref<128xi32, #tpu.memory_space<vmem>>
        %dma_wait3A_81 = arith.constant 0 : i32
        %dma_wait3A_82 = arith.constant 0 : i32
        %dma_wait3A_83 = tpu.memref_slice %arg2[%dma_wait3A_81, %dma_wait3A_82] : memref<10240x128xf32, #tpu.memory_space<hbm>> -> memref<10240x128xf32, #tpu.memory_space<hbm>>
        tpu.wait_indirect_dma semaphore(%run_scoped3A : memref<!tpu.dma_semaphore, #tpu.memory_space<semaphore_mem>>) src(%dma_wait3A_83 : memref<10240x128xf32, #tpu.memory_space<hbm>>) dst(%arg8 : memref<128x128xf32, #tpu.memory_space<vmem>>)
        tpu.yield
      }) : () -> ()
      "tpu.region"() ({
        %run_scoped3A = tpu.sem_alloc : memref<!tpu.dma_semaphore, #tpu.memory_space<semaphore_mem>>
        %dma_start3A = arith.constant 0 : i32
        %dma_start3A_74 = tpu.memref_slice %arg7[%scan3A_73, %dma_start3A] : memref<79x128xi32, #tpu.memory_space<vmem>> -> memref<1x128xi32, #tpu.memory_space<vmem>>
        %dma_start3A_75 = tpu.memref_squeeze %dma_start3A_74 : memref<1x128xi32, #tpu.memory_space<vmem>> -> memref<128xi32, #tpu.memory_space<vmem>>
        %dma_start3A_76 = arith.constant 0 : i32
        %dma_start3A_77 = arith.constant 0 : i32
        %dma_start3A_78 = tpu.memref_slice %arg9[%dma_start3A_76, %dma_start3A_77] : memref<10240x128xf32, #tpu.memory_space<vmem_shared>> -> memref<10240x128xf32, #tpu.memory_space<vmem_shared>>
        tpu.enqueue_indirect_dma source(%arg8 : memref<128x128xf32, #tpu.memory_space<vmem>>) target(%dma_start3A_78 : memref<10240x128xf32, #tpu.memory_space<vmem_shared>>) offsets(%dma_start3A_75 : memref<128xi32, #tpu.memory_space<vmem>>) semaphore(%run_scoped3A : memref<!tpu.dma_semaphore, #tpu.memory_space<semaphore_mem>>) {add = true}
        %dma_wait3A = arith.constant 0 : i32
        %dma_wait3A_79 = tpu.memref_slice %arg7[%scan3A_73, %dma_wait3A] : memref<79x128xi32, #tpu.memory_space<vmem>> -> memref<1x128xi32, #tpu.memory_space<vmem>>
        %dma_wait3A_80 = tpu.memref_squeeze %dma_wait3A_79 : memref<1x128xi32, #tpu.memory_space<vmem>> -> memref<128xi32, #tpu.memory_space<vmem>>
        %dma_wait3A_81 = arith.constant 0 : i32
        %dma_wait3A_82 = arith.constant 0 : i32
        %dma_wait3A_83 = tpu.memref_slice %arg9[%dma_wait3A_81, %dma_wait3A_82] : memref<10240x128xf32, #tpu.memory_space<vmem_shared>> -> memref<10240x128xf32, #tpu.memory_space<vmem_shared>>
        tpu.wait_indirect_dma semaphore(%run_scoped3A : memref<!tpu.dma_semaphore, #tpu.memory_space<semaphore_mem>>) src(%arg8 : memref<128x128xf32, #tpu.memory_space<vmem>>) dst(%dma_wait3A_83 : memref<10240x128xf32, #tpu.memory_space<vmem_shared>>)
        tpu.yield
      }) : () -> ()
    }
    %scan3A_31 = arith.constant 79 : i32
    %barrier3A_32 = arith.constant 0 : index
    tpu.barrier barrier_id(%barrier3A_32)
    %mul3A_33 = arith.constant 640 : i32
    %mul3A_34 = arith.muli %arg1, %mul3A_33 : i32
    %add3A_35 = arith.constant 0 : i32
    %add3A_36 = arith.addi %mul3A_34, %add3A_35 : i32
    %mul3A_37 = arith.constant 640 : i32
    %mul3A_38 = arith.muli %arg1, %mul3A_37 : i32
    %add3A_39 = arith.constant 0 : i32
    %add3A_40 = arith.addi %mul3A_38, %add3A_39 : i32
    "tpu.region"() ({
      %run_scoped3A = tpu.sem_alloc : memref<!tpu.dma_semaphore, #tpu.memory_space<semaphore_mem>>
      %dma_start3A = arith.constant 0 : i32
      %dma_start3A_73 = tpu.memref_slice %arg5[%arg0, %add3A_40, %dma_start3A] : memref<2x10240x128xf32, #tpu.memory_space<hbm>> -> memref<1x128x128xf32, #tpu.memory_space<hbm>>
      %dma_start3A_74 = tpu.memref_squeeze %dma_start3A_73 : memref<1x128x128xf32, #tpu.memory_space<hbm>> -> memref<128x128xf32, #tpu.memory_space<hbm>>
      %dma_start3A_75 = arith.constant 0 : i32
      %dma_start3A_76 = tpu.memref_slice %arg9[%add3A_36, %dma_start3A_75] : memref<10240x128xf32, #tpu.memory_space<vmem_shared>> -> memref<128x128xf32, #tpu.memory_space<vmem_shared>>
      tpu.enqueue_dma source(%dma_start3A_76 : memref<128x128xf32, #tpu.memory_space<vmem_shared>>) target(%dma_start3A_74 : memref<128x128xf32, #tpu.memory_space<hbm>>) target_semaphore(%run_scoped3A : memref<!tpu.dma_semaphore, #tpu.memory_space<semaphore_mem>>)
      %dma_wait3A = arith.constant 0 : i32
      %dma_wait3A_77 = tpu.memref_slice %arg5[%arg0, %add3A_40, %dma_wait3A] : memref<2x10240x128xf32, #tpu.memory_space<hbm>> -> memref<1x128x128xf32, #tpu.memory_space<hbm>>
      %dma_wait3A_78 = tpu.memref_squeeze %dma_wait3A_77 : memref<1x128x128xf32, #tpu.memory_space<hbm>> -> memref<128x128xf32, #tpu.memory_space<hbm>>
      %dma_wait3A_79 = arith.constant 0 : i32
      %dma_wait3A_80 = tpu.memref_slice %arg9[%add3A_36, %dma_wait3A_79] : memref<10240x128xf32, #tpu.memory_space<vmem_shared>> -> memref<128x128xf32, #tpu.memory_space<vmem_shared>>
      tpu.wait_dma2 semaphore(%run_scoped3A : memref<!tpu.dma_semaphore, #tpu.memory_space<semaphore_mem>>) src(%dma_wait3A_80 : memref<128x128xf32, #tpu.memory_space<vmem_shared>>) dst(%dma_wait3A_78 : memref<128x128xf32, #tpu.memory_space<hbm>>)
      tpu.yield
    }) : () -> ()
    %mul3A_41 = arith.constant 640 : i32
    %mul3A_42 = arith.muli %arg1, %mul3A_41 : i32
    %add3A_43 = arith.constant 128 : i32
    %add3A_44 = arith.addi %mul3A_42, %add3A_43 : i32
    %mul3A_45 = arith.constant 640 : i32
    %mul3A_46 = arith.muli %arg1, %mul3A_45 : i32
    %add3A_47 = arith.constant 128 : i32
    %add3A_48 = arith.addi %mul3A_46, %add3A_47 : i32
    "tpu.region"() ({
      %run_scoped3A = tpu.sem_alloc : memref<!tpu.dma_semaphore, #tpu.memory_space<semaphore_mem>>
      %dma_start3A = arith.constant 0 : i32
      %dma_start3A_73 = tpu.memref_slice %arg5[%arg0, %add3A_48, %dma_start3A] : memref<2x10240x128xf32, #tpu.memory_space<hbm>> -> memref<1x128x128xf32, #tpu.memory_space<hbm>>
      %dma_start3A_74 = tpu.memref_squeeze %dma_start3A_73 : memref<1x128x128xf32, #tpu.memory_space<hbm>> -> memref<128x128xf32, #tpu.memory_space<hbm>>
      %dma_start3A_75 = arith.constant 0 : i32
      %dma_start3A_76 = tpu.memref_slice %arg9[%add3A_44, %dma_start3A_75] : memref<10240x128xf32, #tpu.memory_space<vmem_shared>> -> memref<128x128xf32, #tpu.memory_space<vmem_shared>>
      tpu.enqueue_dma source(%dma_start3A_76 : memref<128x128xf32, #tpu.memory_space<vmem_shared>>) target(%dma_start3A_74 : memref<128x128xf32, #tpu.memory_space<hbm>>) target_semaphore(%run_scoped3A : memref<!tpu.dma_semaphore, #tpu.memory_space<semaphore_mem>>)
      %dma_wait3A = arith.constant 0 : i32
      %dma_wait3A_77 = tpu.memref_slice %arg5[%arg0, %add3A_48, %dma_wait3A] : memref<2x10240x128xf32, #tpu.memory_space<hbm>> -> memref<1x128x128xf32, #tpu.memory_space<hbm>>
      %dma_wait3A_78 = tpu.memref_squeeze %dma_wait3A_77 : memref<1x128x128xf32, #tpu.memory_space<hbm>> -> memref<128x128xf32, #tpu.memory_space<hbm>>
      %dma_wait3A_79 = arith.constant 0 : i32
      %dma_wait3A_80 = tpu.memref_slice %arg9[%add3A_44, %dma_wait3A_79] : memref<10240x128xf32, #tpu.memory_space<vmem_shared>> -> memref<128x128xf32, #tpu.memory_space<vmem_shared>>
      tpu.wait_dma2 semaphore(%run_scoped3A : memref<!tpu.dma_semaphore, #tpu.memory_space<semaphore_mem>>) src(%dma_wait3A_80 : memref<128x128xf32, #tpu.memory_space<vmem_shared>>) dst(%dma_wait3A_78 : memref<128x128xf32, #tpu.memory_space<hbm>>)
      tpu.yield
    }) : () -> ()
    %mul3A_49 = arith.constant 640 : i32
    %mul3A_50 = arith.muli %arg1, %mul3A_49 : i32
    %add3A_51 = arith.constant 256 : i32
    %add3A_52 = arith.addi %mul3A_50, %add3A_51 : i32
    %mul3A_53 = arith.constant 640 : i32
    %mul3A_54 = arith.muli %arg1, %mul3A_53 : i32
    %add3A_55 = arith.constant 256 : i32
    %add3A_56 = arith.addi %mul3A_54, %add3A_55 : i32
    "tpu.region"() ({
      %run_scoped3A = tpu.sem_alloc : memref<!tpu.dma_semaphore, #tpu.memory_space<semaphore_mem>>
      %dma_start3A = arith.constant 0 : i32
      %dma_start3A_73 = tpu.memref_slice %arg5[%arg0, %add3A_56, %dma_start3A] : memref<2x10240x128xf32, #tpu.memory_space<hbm>> -> memref<1x128x128xf32, #tpu.memory_space<hbm>>
      %dma_start3A_74 = tpu.memref_squeeze %dma_start3A_73 : memref<1x128x128xf32, #tpu.memory_space<hbm>> -> memref<128x128xf32, #tpu.memory_space<hbm>>
      %dma_start3A_75 = arith.constant 0 : i32
      %dma_start3A_76 = tpu.memref_slice %arg9[%add3A_52, %dma_start3A_75] : memref<10240x128xf32, #tpu.memory_space<vmem_shared>> -> memref<128x128xf32, #tpu.memory_space<vmem_shared>>
      tpu.enqueue_dma source(%dma_start3A_76 : memref<128x128xf32, #tpu.memory_space<vmem_shared>>) target(%dma_start3A_74 : memref<128x128xf32, #tpu.memory_space<hbm>>) target_semaphore(%run_scoped3A : memref<!tpu.dma_semaphore, #tpu.memory_space<semaphore_mem>>)
      %dma_wait3A = arith.constant 0 : i32
      %dma_wait3A_77 = tpu.memref_slice %arg5[%arg0, %add3A_56, %dma_wait3A] : memref<2x10240x128xf32, #tpu.memory_space<hbm>> -> memref<1x128x128xf32, #tpu.memory_space<hbm>>
      %dma_wait3A_78 = tpu.memref_squeeze %dma_wait3A_77 : memref<1x128x128xf32, #tpu.memory_space<hbm>> -> memref<128x128xf32, #tpu.memory_space<hbm>>
      %dma_wait3A_79 = arith.constant 0 : i32
      %dma_wait3A_80 = tpu.memref_slice %arg9[%add3A_52, %dma_wait3A_79] : memref<10240x128xf32, #tpu.memory_space<vmem_shared>> -> memref<128x128xf32, #tpu.memory_space<vmem_shared>>
      tpu.wait_dma2 semaphore(%run_scoped3A : memref<!tpu.dma_semaphore, #tpu.memory_space<semaphore_mem>>) src(%dma_wait3A_80 : memref<128x128xf32, #tpu.memory_space<vmem_shared>>) dst(%dma_wait3A_78 : memref<128x128xf32, #tpu.memory_space<hbm>>)
      tpu.yield
    }) : () -> ()
    %mul3A_57 = arith.constant 640 : i32
    %mul3A_58 = arith.muli %arg1, %mul3A_57 : i32
    %add3A_59 = arith.constant 384 : i32
    %add3A_60 = arith.addi %mul3A_58, %add3A_59 : i32
    %mul3A_61 = arith.constant 640 : i32
    %mul3A_62 = arith.muli %arg1, %mul3A_61 : i32
    %add3A_63 = arith.constant 384 : i32
    %add3A_64 = arith.addi %mul3A_62, %add3A_63 : i32
    "tpu.region"() ({
      %run_scoped3A = tpu.sem_alloc : memref<!tpu.dma_semaphore, #tpu.memory_space<semaphore_mem>>
      %dma_start3A = arith.constant 0 : i32
      %dma_start3A_73 = tpu.memref_slice %arg5[%arg0, %add3A_64, %dma_start3A] : memref<2x10240x128xf32, #tpu.memory_space<hbm>> -> memref<1x128x128xf32, #tpu.memory_space<hbm>>
      %dma_start3A_74 = tpu.memref_squeeze %dma_start3A_73 : memref<1x128x128xf32, #tpu.memory_space<hbm>> -> memref<128x128xf32, #tpu.memory_space<hbm>>
      %dma_start3A_75 = arith.constant 0 : i32
      %dma_start3A_76 = tpu.memref_slice %arg9[%add3A_60, %dma_start3A_75] : memref<10240x128xf32, #tpu.memory_space<vmem_shared>> -> memref<128x128xf32, #tpu.memory_space<vmem_shared>>
      tpu.enqueue_dma source(%dma_start3A_76 : memref<128x128xf32, #tpu.memory_space<vmem_shared>>) target(%dma_start3A_74 : memref<128x128xf32, #tpu.memory_space<hbm>>) target_semaphore(%run_scoped3A : memref<!tpu.dma_semaphore, #tpu.memory_space<semaphore_mem>>)
      %dma_wait3A = arith.constant 0 : i32
      %dma_wait3A_77 = tpu.memref_slice %arg5[%arg0, %add3A_64, %dma_wait3A] : memref<2x10240x128xf32, #tpu.memory_space<hbm>> -> memref<1x128x128xf32, #tpu.memory_space<hbm>>
      %dma_wait3A_78 = tpu.memref_squeeze %dma_wait3A_77 : memref<1x128x128xf32, #tpu.memory_space<hbm>> -> memref<128x128xf32, #tpu.memory_space<hbm>>
      %dma_wait3A_79 = arith.constant 0 : i32
      %dma_wait3A_80 = tpu.memref_slice %arg9[%add3A_60, %dma_wait3A_79] : memref<10240x128xf32, #tpu.memory_space<vmem_shared>> -> memref<128x128xf32, #tpu.memory_space<vmem_shared>>
      tpu.wait_dma2 semaphore(%run_scoped3A : memref<!tpu.dma_semaphore, #tpu.memory_space<semaphore_mem>>) src(%dma_wait3A_80 : memref<128x128xf32, #tpu.memory_space<vmem_shared>>) dst(%dma_wait3A_78 : memref<128x128xf32, #tpu.memory_space<hbm>>)
      tpu.yield
    }) : () -> ()
    %mul3A_65 = arith.constant 640 : i32
    %mul3A_66 = arith.muli %arg1, %mul3A_65 : i32
    %add3A_67 = arith.constant 512 : i32
    %add3A_68 = arith.addi %mul3A_66, %add3A_67 : i32
    %mul3A_69 = arith.constant 640 : i32
    %mul3A_70 = arith.muli %arg1, %mul3A_69 : i32
    %add3A_71 = arith.constant 512 : i32
    %add3A_72 = arith.addi %mul3A_70, %add3A_71 : i32
    "tpu.region"() ({
      %run_scoped3A = tpu.sem_alloc : memref<!tpu.dma_semaphore, #tpu.memory_space<semaphore_mem>>
      %dma_start3A = arith.constant 0 : i32
      %dma_start3A_73 = tpu.memref_slice %arg5[%arg0, %add3A_72, %dma_start3A] : memref<2x10240x128xf32, #tpu.memory_space<hbm>> -> memref<1x128x128xf32, #tpu.memory_space<hbm>>
      %dma_start3A_74 = tpu.memref_squeeze %dma_start3A_73 : memref<1x128x128xf32, #tpu.memory_space<hbm>> -> memref<128x128xf32, #tpu.memory_space<hbm>>
      %dma_start3A_75 = arith.constant 0 : i32
      %dma_start3A_76 = tpu.memref_slice %arg9[%add3A_68, %dma_start3A_75] : memref<10240x128xf32, #tpu.memory_space<vmem_shared>> -> memref<128x128xf32, #tpu.memory_space<vmem_shared>>
      tpu.enqueue_dma source(%dma_start3A_76 : memref<128x128xf32, #tpu.memory_space<vmem_shared>>) target(%dma_start3A_74 : memref<128x128xf32, #tpu.memory_space<hbm>>) target_semaphore(%run_scoped3A : memref<!tpu.dma_semaphore, #tpu.memory_space<semaphore_mem>>)
      %dma_wait3A = arith.constant 0 : i32
      %dma_wait3A_77 = tpu.memref_slice %arg5[%arg0, %add3A_72, %dma_wait3A] : memref<2x10240x128xf32, #tpu.memory_space<hbm>> -> memref<1x128x128xf32, #tpu.memory_space<hbm>>
      %dma_wait3A_78 = tpu.memref_squeeze %dma_wait3A_77 : memref<1x128x128xf32, #tpu.memory_space<hbm>> -> memref<128x128xf32, #tpu.memory_space<hbm>>
      %dma_wait3A_79 = arith.constant 0 : i32
      %dma_wait3A_80 = tpu.memref_slice %arg9[%add3A_68, %dma_wait3A_79] : memref<10240x128xf32, #tpu.memory_space<vmem_shared>> -> memref<128x128xf32, #tpu.memory_space<vmem_shared>>
      tpu.wait_dma2 semaphore(%run_scoped3A : memref<!tpu.dma_semaphore, #tpu.memory_space<semaphore_mem>>) src(%dma_wait3A_80 : memref<128x128xf32, #tpu.memory_space<vmem_shared>>) dst(%dma_wait3A_78 : memref<128x128xf32, #tpu.memory_space<hbm>>)
      tpu.yield
    }) : () -> ()
    return
  }
}

#map = affine_map<(d0, d1) -> (0, 0, 0)>
#map1 = affine_map<(d0, d1) -> (0, 0)>
module attributes {stable_mosaic.version = 14 : i64} {
  func.func @_deg_body(%arg0: i32, %arg1: i32, %arg2: memref<32x79x128xi32, #tpu.memory_space<hbm>>, %arg3: memref<2x10240xf32, #tpu.memory_space<hbm>>, %arg4: memref<79x128xi32, #tpu.memory_space<vmem>>, %arg5: memref<128xf32, #tpu.memory_space<vmem>>, %arg6: memref<640xf32, #tpu.memory_space<vmem>>, %arg7: memref<10240xf32, #tpu.memory_space<vmem_shared>>) attributes {dimension_semantics = [#tpu.dimension_semantics<core_parallel>, #tpu.dimension_semantics<subcore_parallel>], iteration_bounds = array<i64: 2, 16>, scalar_prefetch = 0 : i64, scratch_operands = 4 : i64, tpu.core_type = #tpu.core_type<sc_vector_subcore>, window_params = [{transform_indices = #map}, {transform_indices = #map1}]} {
    %mul3A = arith.constant 16 : i32
    %mul3A_0 = arith.muli %arg0, %mul3A : i32
    %add3A = arith.addi %mul3A_0, %arg1 : i32
    "tpu.region"() ({
      %run_scoped3A = tpu.sem_alloc : memref<!tpu.dma_semaphore, #tpu.memory_space<semaphore_mem>>
      %dma_start3A = arith.constant 0 : i32
      %dma_start3A_299 = arith.constant 0 : i32
      %dma_start3A_300 = tpu.memref_slice %arg2[%add3A, %dma_start3A, %dma_start3A_299] : memref<32x79x128xi32, #tpu.memory_space<hbm>> -> memref<1x79x128xi32, #tpu.memory_space<hbm>>
      %dma_start3A_301 = tpu.memref_squeeze %dma_start3A_300 : memref<1x79x128xi32, #tpu.memory_space<hbm>> -> memref<79x128xi32, #tpu.memory_space<hbm>>
      %dma_start3A_302 = arith.constant 0 : i32
      %dma_start3A_303 = arith.constant 0 : i32
      %dma_start3A_304 = tpu.memref_slice %arg2[%add3A, %dma_start3A_302, %dma_start3A_303] : memref<32x79x128xi32, #tpu.memory_space<hbm>> -> memref<1x79x128xi32, #tpu.memory_space<hbm>>
      %dma_start3A_305 = tpu.memref_squeeze %dma_start3A_304 : memref<1x79x128xi32, #tpu.memory_space<hbm>> -> memref<79x128xi32, #tpu.memory_space<hbm>>
      tpu.enqueue_dma source(%dma_start3A_305 : memref<79x128xi32, #tpu.memory_space<hbm>>) target(%arg4 : memref<79x128xi32, #tpu.memory_space<vmem>>) target_semaphore(%run_scoped3A : memref<!tpu.dma_semaphore, #tpu.memory_space<semaphore_mem>>)
      %dma_wait3A = arith.constant 0 : i32
      %dma_wait3A_306 = arith.constant 0 : i32
      %dma_wait3A_307 = tpu.memref_slice %arg2[%add3A, %dma_wait3A, %dma_wait3A_306] : memref<32x79x128xi32, #tpu.memory_space<hbm>> -> memref<1x79x128xi32, #tpu.memory_space<hbm>>
      %dma_wait3A_308 = tpu.memref_squeeze %dma_wait3A_307 : memref<1x79x128xi32, #tpu.memory_space<hbm>> -> memref<79x128xi32, #tpu.memory_space<hbm>>
      %dma_wait3A_309 = arith.constant 0 : i32
      %dma_wait3A_310 = arith.constant 0 : i32
      %dma_wait3A_311 = tpu.memref_slice %arg2[%add3A, %dma_wait3A_309, %dma_wait3A_310] : memref<32x79x128xi32, #tpu.memory_space<hbm>> -> memref<1x79x128xi32, #tpu.memory_space<hbm>>
      %dma_wait3A_312 = tpu.memref_squeeze %dma_wait3A_311 : memref<1x79x128xi32, #tpu.memory_space<hbm>> -> memref<79x128xi32, #tpu.memory_space<hbm>>
      tpu.wait_dma2 semaphore(%run_scoped3A : memref<!tpu.dma_semaphore, #tpu.memory_space<semaphore_mem>>) src(%dma_wait3A_312 : memref<79x128xi32, #tpu.memory_space<hbm>>) dst(%arg4 : memref<79x128xi32, #tpu.memory_space<vmem>>)
      tpu.yield
    }) : () -> ()
    %broadcast_in_dim3A = arith.constant 1.000000e+00 : f32
    %broadcast_in_dim3A_1 = vector.broadcast %broadcast_in_dim3A : f32 to vector<16xf32>
    %swap3A = arith.constant 0 : index
    %swap3A_2 = tpu.vector_load %arg5[%swap3A] {strides = array<i32>} : memref<128xf32, #tpu.memory_space<vmem>>, vector<16xf32>,
    %swap3A_3 = vector.shape_cast %swap3A_2 : vector<16xf32> to vector<16xf32>
    %swap3A_4 = vector.shape_cast %broadcast_in_dim3A_1 : vector<16xf32> to vector<16xf32>
    tpu.vector_store %arg5[%swap3A], %swap3A_4 {strides = array<i32>} : memref<128xf32, #tpu.memory_space<vmem>>, vector<16xf32>,
    %broadcast_in_dim3A_5 = arith.constant 1.000000e+00 : f32
    %broadcast_in_dim3A_6 = vector.broadcast %broadcast_in_dim3A_5 : f32 to vector<16xf32>
    %swap3A_7 = arith.constant 16 : index
    %swap3A_8 = tpu.vector_load %arg5[%swap3A_7] {strides = array<i32>} : memref<128xf32, #tpu.memory_space<vmem>>, vector<16xf32>,
    %swap3A_9 = vector.shape_cast %swap3A_8 : vector<16xf32> to vector<16xf32>
    %swap3A_10 = vector.shape_cast %broadcast_in_dim3A_6 : vector<16xf32> to vector<16xf32>
    tpu.vector_store %arg5[%swap3A_7], %swap3A_10 {strides = array<i32>} : memref<128xf32, #tpu.memory_space<vmem>>, vector<16xf32>,
    %broadcast_in_dim3A_11 = arith.constant 1.000000e+00 : f32
    %broadcast_in_dim3A_12 = vector.broadcast %broadcast_in_dim3A_11 : f32 to vector<16xf32>
    %swap3A_13 = arith.constant 32 : index
    %swap3A_14 = tpu.vector_load %arg5[%swap3A_13] {strides = array<i32>} : memref<128xf32, #tpu.memory_space<vmem>>, vector<16xf32>,
    %swap3A_15 = vector.shape_cast %swap3A_14 : vector<16xf32> to vector<16xf32>
    %swap3A_16 = vector.shape_cast %broadcast_in_dim3A_12 : vector<16xf32> to vector<16xf32>
    tpu.vector_store %arg5[%swap3A_13], %swap3A_16 {strides = array<i32>} : memref<128xf32, #tpu.memory_space<vmem>>, vector<16xf32>,
    %broadcast_in_dim3A_17 = arith.constant 1.000000e+00 : f32
    %broadcast_in_dim3A_18 = vector.broadcast %broadcast_in_dim3A_17 : f32 to vector<16xf32>
    %swap3A_19 = arith.constant 48 : index
    %swap3A_20 = tpu.vector_load %arg5[%swap3A_19] {strides = array<i32>} : memref<128xf32, #tpu.memory_space<vmem>>, vector<16xf32>,
    %swap3A_21 = vector.shape_cast %swap3A_20 : vector<16xf32> to vector<16xf32>
    %swap3A_22 = vector.shape_cast %broadcast_in_dim3A_18 : vector<16xf32> to vector<16xf32>
    tpu.vector_store %arg5[%swap3A_19], %swap3A_22 {strides = array<i32>} : memref<128xf32, #tpu.memory_space<vmem>>, vector<16xf32>,
    %broadcast_in_dim3A_23 = arith.constant 1.000000e+00 : f32
    %broadcast_in_dim3A_24 = vector.broadcast %broadcast_in_dim3A_23 : f32 to vector<16xf32>
    %swap3A_25 = arith.constant 64 : index
    %swap3A_26 = tpu.vector_load %arg5[%swap3A_25] {strides = array<i32>} : memref<128xf32, #tpu.memory_space<vmem>>, vector<16xf32>,
    %swap3A_27 = vector.shape_cast %swap3A_26 : vector<16xf32> to vector<16xf32>
    %swap3A_28 = vector.shape_cast %broadcast_in_dim3A_24 : vector<16xf32> to vector<16xf32>
    tpu.vector_store %arg5[%swap3A_25], %swap3A_28 {strides = array<i32>} : memref<128xf32, #tpu.memory_space<vmem>>, vector<16xf32>,
    %broadcast_in_dim3A_29 = arith.constant 1.000000e+00 : f32
    %broadcast_in_dim3A_30 = vector.broadcast %broadcast_in_dim3A_29 : f32 to vector<16xf32>
    %swap3A_31 = arith.constant 80 : index
    %swap3A_32 = tpu.vector_load %arg5[%swap3A_31] {strides = array<i32>} : memref<128xf32, #tpu.memory_space<vmem>>, vector<16xf32>,
    %swap3A_33 = vector.shape_cast %swap3A_32 : vector<16xf32> to vector<16xf32>
    %swap3A_34 = vector.shape_cast %broadcast_in_dim3A_30 : vector<16xf32> to vector<16xf32>
    tpu.vector_store %arg5[%swap3A_31], %swap3A_34 {strides = array<i32>} : memref<128xf32, #tpu.memory_space<vmem>>, vector<16xf32>,
    %broadcast_in_dim3A_35 = arith.constant 1.000000e+00 : f32
    %broadcast_in_dim3A_36 = vector.broadcast %broadcast_in_dim3A_35 : f32 to vector<16xf32>
    %swap3A_37 = arith.constant 96 : index
    %swap3A_38 = tpu.vector_load %arg5[%swap3A_37] {strides = array<i32>} : memref<128xf32, #tpu.memory_space<vmem>>, vector<16xf32>,
    %swap3A_39 = vector.shape_cast %swap3A_38 : vector<16xf32> to vector<16xf32>
    %swap3A_40 = vector.shape_cast %broadcast_in_dim3A_36 : vector<16xf32> to vector<16xf32>
    tpu.vector_store %arg5[%swap3A_37], %swap3A_40 {strides = array<i32>} : memref<128xf32, #tpu.memory_space<vmem>>, vector<16xf32>,
    %broadcast_in_dim3A_41 = arith.constant 1.000000e+00 : f32
    %broadcast_in_dim3A_42 = vector.broadcast %broadcast_in_dim3A_41 : f32 to vector<16xf32>
    %swap3A_43 = arith.constant 112 : index
    %swap3A_44 = tpu.vector_load %arg5[%swap3A_43] {strides = array<i32>} : memref<128xf32, #tpu.memory_space<vmem>>, vector<16xf32>,
    %swap3A_45 = vector.shape_cast %swap3A_44 : vector<16xf32> to vector<16xf32>
    %swap3A_46 = vector.shape_cast %broadcast_in_dim3A_42 : vector<16xf32> to vector<16xf32>
    tpu.vector_store %arg5[%swap3A_43], %swap3A_46 {strides = array<i32>} : memref<128xf32, #tpu.memory_space<vmem>>, vector<16xf32>,
    %broadcast_in_dim3A_47 = arith.constant 0.000000e+00 : f32
    %broadcast_in_dim3A_48 = vector.broadcast %broadcast_in_dim3A_47 : f32 to vector<16xf32>
    %swap3A_49 = arith.constant 0 : index
    %swap3A_50 = tpu.vector_load %arg6[%swap3A_49] {strides = array<i32>} : memref<640xf32, #tpu.memory_space<vmem>>, vector<16xf32>,
    %swap3A_51 = vector.shape_cast %swap3A_50 : vector<16xf32> to vector<16xf32>
    %swap3A_52 = vector.shape_cast %broadcast_in_dim3A_48 : vector<16xf32> to vector<16xf32>
    tpu.vector_store %arg6[%swap3A_49], %swap3A_52 {strides = array<i32>} : memref<640xf32, #tpu.memory_space<vmem>>, vector<16xf32>,
    %broadcast_in_dim3A_53 = arith.constant 0.000000e+00 : f32
    %broadcast_in_dim3A_54 = vector.broadcast %broadcast_in_dim3A_53 : f32 to vector<16xf32>
    %swap3A_55 = arith.constant 16 : index
    %swap3A_56 = tpu.vector_load %arg6[%swap3A_55] {strides = array<i32>} : memref<640xf32, #tpu.memory_space<vmem>>, vector<16xf32>,
    %swap3A_57 = vector.shape_cast %swap3A_56 : vector<16xf32> to vector<16xf32>
    %swap3A_58 = vector.shape_cast %broadcast_in_dim3A_54 : vector<16xf32> to vector<16xf32>
    tpu.vector_store %arg6[%swap3A_55], %swap3A_58 {strides = array<i32>} : memref<640xf32, #tpu.memory_space<vmem>>, vector<16xf32>,
    %broadcast_in_dim3A_59 = arith.constant 0.000000e+00 : f32
    %broadcast_in_dim3A_60 = vector.broadcast %broadcast_in_dim3A_59 : f32 to vector<16xf32>
    %swap3A_61 = arith.constant 32 : index
    %swap3A_62 = tpu.vector_load %arg6[%swap3A_61] {strides = array<i32>} : memref<640xf32, #tpu.memory_space<vmem>>, vector<16xf32>,
    %swap3A_63 = vector.shape_cast %swap3A_62 : vector<16xf32> to vector<16xf32>
    %swap3A_64 = vector.shape_cast %broadcast_in_dim3A_60 : vector<16xf32> to vector<16xf32>
    tpu.vector_store %arg6[%swap3A_61], %swap3A_64 {strides = array<i32>} : memref<640xf32, #tpu.memory_space<vmem>>, vector<16xf32>,
    %broadcast_in_dim3A_65 = arith.constant 0.000000e+00 : f32
    %broadcast_in_dim3A_66 = vector.broadcast %broadcast_in_dim3A_65 : f32 to vector<16xf32>
    %swap3A_67 = arith.constant 48 : index
    %swap3A_68 = tpu.vector_load %arg6[%swap3A_67] {strides = array<i32>} : memref<640xf32, #tpu.memory_space<vmem>>, vector<16xf32>,
    %swap3A_69 = vector.shape_cast %swap3A_68 : vector<16xf32> to vector<16xf32>
    %swap3A_70 = vector.shape_cast %broadcast_in_dim3A_66 : vector<16xf32> to vector<16xf32>
    tpu.vector_store %arg6[%swap3A_67], %swap3A_70 {strides = array<i32>} : memref<640xf32, #tpu.memory_space<vmem>>, vector<16xf32>,
    %broadcast_in_dim3A_71 = arith.constant 0.000000e+00 : f32
    %broadcast_in_dim3A_72 = vector.broadcast %broadcast_in_dim3A_71 : f32 to vector<16xf32>
    %swap3A_73 = arith.constant 64 : index
    %swap3A_74 = tpu.vector_load %arg6[%swap3A_73] {strides = array<i32>} : memref<640xf32, #tpu.memory_space<vmem>>, vector<16xf32>,
    %swap3A_75 = vector.shape_cast %swap3A_74 : vector<16xf32> to vector<16xf32>
    %swap3A_76 = vector.shape_cast %broadcast_in_dim3A_72 : vector<16xf32> to vector<16xf32>
    tpu.vector_store %arg6[%swap3A_73], %swap3A_76 {strides = array<i32>} : memref<640xf32, #tpu.memory_space<vmem>>, vector<16xf32>,
    %broadcast_in_dim3A_77 = arith.constant 0.000000e+00 : f32
    %broadcast_in_dim3A_78 = vector.broadcast %broadcast_in_dim3A_77 : f32 to vector<16xf32>
    %swap3A_79 = arith.constant 80 : index
    %swap3A_80 = tpu.vector_load %arg6[%swap3A_79] {strides = array<i32>} : memref<640xf32, #tpu.memory_space<vmem>>, vector<16xf32>,
    %swap3A_81 = vector.shape_cast %swap3A_80 : vector<16xf32> to vector<16xf32>
    %swap3A_82 = vector.shape_cast %broadcast_in_dim3A_78 : vector<16xf32> to vector<16xf32>
    tpu.vector_store %arg6[%swap3A_79], %swap3A_82 {strides = array<i32>} : memref<640xf32, #tpu.memory_space<vmem>>, vector<16xf32>,
    %broadcast_in_dim3A_83 = arith.constant 0.000000e+00 : f32
    %broadcast_in_dim3A_84 = vector.broadcast %broadcast_in_dim3A_83 : f32 to vector<16xf32>
    %swap3A_85 = arith.constant 96 : index
    %swap3A_86 = tpu.vector_load %arg6[%swap3A_85] {strides = array<i32>} : memref<640xf32, #tpu.memory_space<vmem>>, vector<16xf32>,
    %swap3A_87 = vector.shape_cast %swap3A_86 : vector<16xf32> to vector<16xf32>
    %swap3A_88 = vector.shape_cast %broadcast_in_dim3A_84 : vector<16xf32> to vector<16xf32>
    tpu.vector_store %arg6[%swap3A_85], %swap3A_88 {strides = array<i32>} : memref<640xf32, #tpu.memory_space<vmem>>, vector<16xf32>,
    %broadcast_in_dim3A_89 = arith.constant 0.000000e+00 : f32
    %broadcast_in_dim3A_90 = vector.broadcast %broadcast_in_dim3A_89 : f32 to vector<16xf32>
    %swap3A_91 = arith.constant 112 : index
    %swap3A_92 = tpu.vector_load %arg6[%swap3A_91] {strides = array<i32>} : memref<640xf32, #tpu.memory_space<vmem>>, vector<16xf32>,
    %swap3A_93 = vector.shape_cast %swap3A_92 : vector<16xf32> to vector<16xf32>
    %swap3A_94 = vector.shape_cast %broadcast_in_dim3A_90 : vector<16xf32> to vector<16xf32>
    tpu.vector_store %arg6[%swap3A_91], %swap3A_94 {strides = array<i32>} : memref<640xf32, #tpu.memory_space<vmem>>, vector<16xf32>,
    %broadcast_in_dim3A_95 = arith.constant 0.000000e+00 : f32
    %broadcast_in_dim3A_96 = vector.broadcast %broadcast_in_dim3A_95 : f32 to vector<16xf32>
    %swap3A_97 = arith.constant 128 : index
    %swap3A_98 = tpu.vector_load %arg6[%swap3A_97] {strides = array<i32>} : memref<640xf32, #tpu.memory_space<vmem>>, vector<16xf32>,
    %swap3A_99 = vector.shape_cast %swap3A_98 : vector<16xf32> to vector<16xf32>
    %swap3A_100 = vector.shape_cast %broadcast_in_dim3A_96 : vector<16xf32> to vector<16xf32>
    tpu.vector_store %arg6[%swap3A_97], %swap3A_100 {strides = array<i32>} : memref<640xf32, #tpu.memory_space<vmem>>, vector<16xf32>,
    %broadcast_in_dim3A_101 = arith.constant 0.000000e+00 : f32
    %broadcast_in_dim3A_102 = vector.broadcast %broadcast_in_dim3A_101 : f32 to vector<16xf32>
    %swap3A_103 = arith.constant 144 : index
    %swap3A_104 = tpu.vector_load %arg6[%swap3A_103] {strides = array<i32>} : memref<640xf32, #tpu.memory_space<vmem>>, vector<16xf32>,
    %swap3A_105 = vector.shape_cast %swap3A_104 : vector<16xf32> to vector<16xf32>
    %swap3A_106 = vector.shape_cast %broadcast_in_dim3A_102 : vector<16xf32> to vector<16xf32>
    tpu.vector_store %arg6[%swap3A_103], %swap3A_106 {strides = array<i32>} : memref<640xf32, #tpu.memory_space<vmem>>, vector<16xf32>,
    %broadcast_in_dim3A_107 = arith.constant 0.000000e+00 : f32
    %broadcast_in_dim3A_108 = vector.broadcast %broadcast_in_dim3A_107 : f32 to vector<16xf32>
    %swap3A_109 = arith.constant 160 : index
    %swap3A_110 = tpu.vector_load %arg6[%swap3A_109] {strides = array<i32>} : memref<640xf32, #tpu.memory_space<vmem>>, vector<16xf32>,
    %swap3A_111 = vector.shape_cast %swap3A_110 : vector<16xf32> to vector<16xf32>
    %swap3A_112 = vector.shape_cast %broadcast_in_dim3A_108 : vector<16xf32> to vector<16xf32>
    tpu.vector_store %arg6[%swap3A_109], %swap3A_112 {strides = array<i32>} : memref<640xf32, #tpu.memory_space<vmem>>, vector<16xf32>,
    %broadcast_in_dim3A_113 = arith.constant 0.000000e+00 : f32
    %broadcast_in_dim3A_114 = vector.broadcast %broadcast_in_dim3A_113 : f32 to vector<16xf32>
    %swap3A_115 = arith.constant 176 : index
    %swap3A_116 = tpu.vector_load %arg6[%swap3A_115] {strides = array<i32>} : memref<640xf32, #tpu.memory_space<vmem>>, vector<16xf32>,
    %swap3A_117 = vector.shape_cast %swap3A_116 : vector<16xf32> to vector<16xf32>
    %swap3A_118 = vector.shape_cast %broadcast_in_dim3A_114 : vector<16xf32> to vector<16xf32>
    tpu.vector_store %arg6[%swap3A_115], %swap3A_118 {strides = array<i32>} : memref<640xf32, #tpu.memory_space<vmem>>, vector<16xf32>,
    %broadcast_in_dim3A_119 = arith.constant 0.000000e+00 : f32
    %broadcast_in_dim3A_120 = vector.broadcast %broadcast_in_dim3A_119 : f32 to vector<16xf32>
    %swap3A_121 = arith.constant 192 : index
    %swap3A_122 = tpu.vector_load %arg6[%swap3A_121] {strides = array<i32>} : memref<640xf32, #tpu.memory_space<vmem>>, vector<16xf32>,
    %swap3A_123 = vector.shape_cast %swap3A_122 : vector<16xf32> to vector<16xf32>
    %swap3A_124 = vector.shape_cast %broadcast_in_dim3A_120 : vector<16xf32> to vector<16xf32>
    tpu.vector_store %arg6[%swap3A_121], %swap3A_124 {strides = array<i32>} : memref<640xf32, #tpu.memory_space<vmem>>, vector<16xf32>,
    %broadcast_in_dim3A_125 = arith.constant 0.000000e+00 : f32
    %broadcast_in_dim3A_126 = vector.broadcast %broadcast_in_dim3A_125 : f32 to vector<16xf32>
    %swap3A_127 = arith.constant 208 : index
    %swap3A_128 = tpu.vector_load %arg6[%swap3A_127] {strides = array<i32>} : memref<640xf32, #tpu.memory_space<vmem>>, vector<16xf32>,
    %swap3A_129 = vector.shape_cast %swap3A_128 : vector<16xf32> to vector<16xf32>
    %swap3A_130 = vector.shape_cast %broadcast_in_dim3A_126 : vector<16xf32> to vector<16xf32>
    tpu.vector_store %arg6[%swap3A_127], %swap3A_130 {strides = array<i32>} : memref<640xf32, #tpu.memory_space<vmem>>, vector<16xf32>,
    %broadcast_in_dim3A_131 = arith.constant 0.000000e+00 : f32
    %broadcast_in_dim3A_132 = vector.broadcast %broadcast_in_dim3A_131 : f32 to vector<16xf32>
    %swap3A_133 = arith.constant 224 : index
    %swap3A_134 = tpu.vector_load %arg6[%swap3A_133] {strides = array<i32>} : memref<640xf32, #tpu.memory_space<vmem>>, vector<16xf32>,
    %swap3A_135 = vector.shape_cast %swap3A_134 : vector<16xf32> to vector<16xf32>
    %swap3A_136 = vector.shape_cast %broadcast_in_dim3A_132 : vector<16xf32> to vector<16xf32>
    tpu.vector_store %arg6[%swap3A_133], %swap3A_136 {strides = array<i32>} : memref<640xf32, #tpu.memory_space<vmem>>, vector<16xf32>,
    %broadcast_in_dim3A_137 = arith.constant 0.000000e+00 : f32
    %broadcast_in_dim3A_138 = vector.broadcast %broadcast_in_dim3A_137 : f32 to vector<16xf32>
    %swap3A_139 = arith.constant 240 : index
    %swap3A_140 = tpu.vector_load %arg6[%swap3A_139] {strides = array<i32>} : memref<640xf32, #tpu.memory_space<vmem>>, vector<16xf32>,
    %swap3A_141 = vector.shape_cast %swap3A_140 : vector<16xf32> to vector<16xf32>
    %swap3A_142 = vector.shape_cast %broadcast_in_dim3A_138 : vector<16xf32> to vector<16xf32>
    tpu.vector_store %arg6[%swap3A_139], %swap3A_142 {strides = array<i32>} : memref<640xf32, #tpu.memory_space<vmem>>, vector<16xf32>,
    %broadcast_in_dim3A_143 = arith.constant 0.000000e+00 : f32
    %broadcast_in_dim3A_144 = vector.broadcast %broadcast_in_dim3A_143 : f32 to vector<16xf32>
    %swap3A_145 = arith.constant 256 : index
    %swap3A_146 = tpu.vector_load %arg6[%swap3A_145] {strides = array<i32>} : memref<640xf32, #tpu.memory_space<vmem>>, vector<16xf32>,
    %swap3A_147 = vector.shape_cast %swap3A_146 : vector<16xf32> to vector<16xf32>
    %swap3A_148 = vector.shape_cast %broadcast_in_dim3A_144 : vector<16xf32> to vector<16xf32>
    tpu.vector_store %arg6[%swap3A_145], %swap3A_148 {strides = array<i32>} : memref<640xf32, #tpu.memory_space<vmem>>, vector<16xf32>,
    %broadcast_in_dim3A_149 = arith.constant 0.000000e+00 : f32
    %broadcast_in_dim3A_150 = vector.broadcast %broadcast_in_dim3A_149 : f32 to vector<16xf32>
    %swap3A_151 = arith.constant 272 : index
    %swap3A_152 = tpu.vector_load %arg6[%swap3A_151] {strides = array<i32>} : memref<640xf32, #tpu.memory_space<vmem>>, vector<16xf32>,
    %swap3A_153 = vector.shape_cast %swap3A_152 : vector<16xf32> to vector<16xf32>
    %swap3A_154 = vector.shape_cast %broadcast_in_dim3A_150 : vector<16xf32> to vector<16xf32>
    tpu.vector_store %arg6[%swap3A_151], %swap3A_154 {strides = array<i32>} : memref<640xf32, #tpu.memory_space<vmem>>, vector<16xf32>,
    %broadcast_in_dim3A_155 = arith.constant 0.000000e+00 : f32
    %broadcast_in_dim3A_156 = vector.broadcast %broadcast_in_dim3A_155 : f32 to vector<16xf32>
    %swap3A_157 = arith.constant 288 : index
    %swap3A_158 = tpu.vector_load %arg6[%swap3A_157] {strides = array<i32>} : memref<640xf32, #tpu.memory_space<vmem>>, vector<16xf32>,
    %swap3A_159 = vector.shape_cast %swap3A_158 : vector<16xf32> to vector<16xf32>
    %swap3A_160 = vector.shape_cast %broadcast_in_dim3A_156 : vector<16xf32> to vector<16xf32>
    tpu.vector_store %arg6[%swap3A_157], %swap3A_160 {strides = array<i32>} : memref<640xf32, #tpu.memory_space<vmem>>, vector<16xf32>,
    %broadcast_in_dim3A_161 = arith.constant 0.000000e+00 : f32
    %broadcast_in_dim3A_162 = vector.broadcast %broadcast_in_dim3A_161 : f32 to vector<16xf32>
    %swap3A_163 = arith.constant 304 : index
    %swap3A_164 = tpu.vector_load %arg6[%swap3A_163] {strides = array<i32>} : memref<640xf32, #tpu.memory_space<vmem>>, vector<16xf32>,
    %swap3A_165 = vector.shape_cast %swap3A_164 : vector<16xf32> to vector<16xf32>
    %swap3A_166 = vector.shape_cast %broadcast_in_dim3A_162 : vector<16xf32> to vector<16xf32>
    tpu.vector_store %arg6[%swap3A_163], %swap3A_166 {strides = array<i32>} : memref<640xf32, #tpu.memory_space<vmem>>, vector<16xf32>,
    %broadcast_in_dim3A_167 = arith.constant 0.000000e+00 : f32
    %broadcast_in_dim3A_168 = vector.broadcast %broadcast_in_dim3A_167 : f32 to vector<16xf32>
    %swap3A_169 = arith.constant 320 : index
    %swap3A_170 = tpu.vector_load %arg6[%swap3A_169] {strides = array<i32>} : memref<640xf32, #tpu.memory_space<vmem>>, vector<16xf32>,
    %swap3A_171 = vector.shape_cast %swap3A_170 : vector<16xf32> to vector<16xf32>
    %swap3A_172 = vector.shape_cast %broadcast_in_dim3A_168 : vector<16xf32> to vector<16xf32>
    tpu.vector_store %arg6[%swap3A_169], %swap3A_172 {strides = array<i32>} : memref<640xf32, #tpu.memory_space<vmem>>, vector<16xf32>,
    %broadcast_in_dim3A_173 = arith.constant 0.000000e+00 : f32
    %broadcast_in_dim3A_174 = vector.broadcast %broadcast_in_dim3A_173 : f32 to vector<16xf32>
    %swap3A_175 = arith.constant 336 : index
    %swap3A_176 = tpu.vector_load %arg6[%swap3A_175] {strides = array<i32>} : memref<640xf32, #tpu.memory_space<vmem>>, vector<16xf32>,
    %swap3A_177 = vector.shape_cast %swap3A_176 : vector<16xf32> to vector<16xf32>
    %swap3A_178 = vector.shape_cast %broadcast_in_dim3A_174 : vector<16xf32> to vector<16xf32>
    tpu.vector_store %arg6[%swap3A_175], %swap3A_178 {strides = array<i32>} : memref<640xf32, #tpu.memory_space<vmem>>, vector<16xf32>,
    %broadcast_in_dim3A_179 = arith.constant 0.000000e+00 : f32
    %broadcast_in_dim3A_180 = vector.broadcast %broadcast_in_dim3A_179 : f32 to vector<16xf32>
    %swap3A_181 = arith.constant 352 : index
    %swap3A_182 = tpu.vector_load %arg6[%swap3A_181] {strides = array<i32>} : memref<640xf32, #tpu.memory_space<vmem>>, vector<16xf32>,
    %swap3A_183 = vector.shape_cast %swap3A_182 : vector<16xf32> to vector<16xf32>
    %swap3A_184 = vector.shape_cast %broadcast_in_dim3A_180 : vector<16xf32> to vector<16xf32>
    tpu.vector_store %arg6[%swap3A_181], %swap3A_184 {strides = array<i32>} : memref<640xf32, #tpu.memory_space<vmem>>, vector<16xf32>,
    %broadcast_in_dim3A_185 = arith.constant 0.000000e+00 : f32
    %broadcast_in_dim3A_186 = vector.broadcast %broadcast_in_dim3A_185 : f32 to vector<16xf32>
    %swap3A_187 = arith.constant 368 : index
    %swap3A_188 = tpu.vector_load %arg6[%swap3A_187] {strides = array<i32>} : memref<640xf32, #tpu.memory_space<vmem>>, vector<16xf32>,
    %swap3A_189 = vector.shape_cast %swap3A_188 : vector<16xf32> to vector<16xf32>
    %swap3A_190 = vector.shape_cast %broadcast_in_dim3A_186 : vector<16xf32> to vector<16xf32>
    tpu.vector_store %arg6[%swap3A_187], %swap3A_190 {strides = array<i32>} : memref<640xf32, #tpu.memory_space<vmem>>, vector<16xf32>,
    %broadcast_in_dim3A_191 = arith.constant 0.000000e+00 : f32
    %broadcast_in_dim3A_192 = vector.broadcast %broadcast_in_dim3A_191 : f32 to vector<16xf32>
    %swap3A_193 = arith.constant 384 : index
    %swap3A_194 = tpu.vector_load %arg6[%swap3A_193] {strides = array<i32>} : memref<640xf32, #tpu.memory_space<vmem>>, vector<16xf32>,
    %swap3A_195 = vector.shape_cast %swap3A_194 : vector<16xf32> to vector<16xf32>
    %swap3A_196 = vector.shape_cast %broadcast_in_dim3A_192 : vector<16xf32> to vector<16xf32>
    tpu.vector_store %arg6[%swap3A_193], %swap3A_196 {strides = array<i32>} : memref<640xf32, #tpu.memory_space<vmem>>, vector<16xf32>,
    %broadcast_in_dim3A_197 = arith.constant 0.000000e+00 : f32
    %broadcast_in_dim3A_198 = vector.broadcast %broadcast_in_dim3A_197 : f32 to vector<16xf32>
    %swap3A_199 = arith.constant 400 : index
    %swap3A_200 = tpu.vector_load %arg6[%swap3A_199] {strides = array<i32>} : memref<640xf32, #tpu.memory_space<vmem>>, vector<16xf32>,
    %swap3A_201 = vector.shape_cast %swap3A_200 : vector<16xf32> to vector<16xf32>
    %swap3A_202 = vector.shape_cast %broadcast_in_dim3A_198 : vector<16xf32> to vector<16xf32>
    tpu.vector_store %arg6[%swap3A_199], %swap3A_202 {strides = array<i32>} : memref<640xf32, #tpu.memory_space<vmem>>, vector<16xf32>,
    %broadcast_in_dim3A_203 = arith.constant 0.000000e+00 : f32
    %broadcast_in_dim3A_204 = vector.broadcast %broadcast_in_dim3A_203 : f32 to vector<16xf32>
    %swap3A_205 = arith.constant 416 : index
    %swap3A_206 = tpu.vector_load %arg6[%swap3A_205] {strides = array<i32>} : memref<640xf32, #tpu.memory_space<vmem>>, vector<16xf32>,
    %swap3A_207 = vector.shape_cast %swap3A_206 : vector<16xf32> to vector<16xf32>
    %swap3A_208 = vector.shape_cast %broadcast_in_dim3A_204 : vector<16xf32> to vector<16xf32>
    tpu.vector_store %arg6[%swap3A_205], %swap3A_208 {strides = array<i32>} : memref<640xf32, #tpu.memory_space<vmem>>, vector<16xf32>,
    %broadcast_in_dim3A_209 = arith.constant 0.000000e+00 : f32
    %broadcast_in_dim3A_210 = vector.broadcast %broadcast_in_dim3A_209 : f32 to vector<16xf32>
    %swap3A_211 = arith.constant 432 : index
    %swap3A_212 = tpu.vector_load %arg6[%swap3A_211] {strides = array<i32>} : memref<640xf32, #tpu.memory_space<vmem>>, vector<16xf32>,
    %swap3A_213 = vector.shape_cast %swap3A_212 : vector<16xf32> to vector<16xf32>
    %swap3A_214 = vector.shape_cast %broadcast_in_dim3A_210 : vector<16xf32> to vector<16xf32>
    tpu.vector_store %arg6[%swap3A_211], %swap3A_214 {strides = array<i32>} : memref<640xf32, #tpu.memory_space<vmem>>, vector<16xf32>,
    %broadcast_in_dim3A_215 = arith.constant 0.000000e+00 : f32
    %broadcast_in_dim3A_216 = vector.broadcast %broadcast_in_dim3A_215 : f32 to vector<16xf32>
    %swap3A_217 = arith.constant 448 : index
    %swap3A_218 = tpu.vector_load %arg6[%swap3A_217] {strides = array<i32>} : memref<640xf32, #tpu.memory_space<vmem>>, vector<16xf32>,
    %swap3A_219 = vector.shape_cast %swap3A_218 : vector<16xf32> to vector<16xf32>
    %swap3A_220 = vector.shape_cast %broadcast_in_dim3A_216 : vector<16xf32> to vector<16xf32>
    tpu.vector_store %arg6[%swap3A_217], %swap3A_220 {strides = array<i32>} : memref<640xf32, #tpu.memory_space<vmem>>, vector<16xf32>,
    %broadcast_in_dim3A_221 = arith.constant 0.000000e+00 : f32
    %broadcast_in_dim3A_222 = vector.broadcast %broadcast_in_dim3A_221 : f32 to vector<16xf32>
    %swap3A_223 = arith.constant 464 : index
    %swap3A_224 = tpu.vector_load %arg6[%swap3A_223] {strides = array<i32>} : memref<640xf32, #tpu.memory_space<vmem>>, vector<16xf32>,
    %swap3A_225 = vector.shape_cast %swap3A_224 : vector<16xf32> to vector<16xf32>
    %swap3A_226 = vector.shape_cast %broadcast_in_dim3A_222 : vector<16xf32> to vector<16xf32>
    tpu.vector_store %arg6[%swap3A_223], %swap3A_226 {strides = array<i32>} : memref<640xf32, #tpu.memory_space<vmem>>, vector<16xf32>,
    %broadcast_in_dim3A_227 = arith.constant 0.000000e+00 : f32
    %broadcast_in_dim3A_228 = vector.broadcast %broadcast_in_dim3A_227 : f32 to vector<16xf32>
    %swap3A_229 = arith.constant 480 : index
    %swap3A_230 = tpu.vector_load %arg6[%swap3A_229] {strides = array<i32>} : memref<640xf32, #tpu.memory_space<vmem>>, vector<16xf32>,
    %swap3A_231 = vector.shape_cast %swap3A_230 : vector<16xf32> to vector<16xf32>
    %swap3A_232 = vector.shape_cast %broadcast_in_dim3A_228 : vector<16xf32> to vector<16xf32>
    tpu.vector_store %arg6[%swap3A_229], %swap3A_232 {strides = array<i32>} : memref<640xf32, #tpu.memory_space<vmem>>, vector<16xf32>,
    %broadcast_in_dim3A_233 = arith.constant 0.000000e+00 : f32
    %broadcast_in_dim3A_234 = vector.broadcast %broadcast_in_dim3A_233 : f32 to vector<16xf32>
    %swap3A_235 = arith.constant 496 : index
    %swap3A_236 = tpu.vector_load %arg6[%swap3A_235] {strides = array<i32>} : memref<640xf32, #tpu.memory_space<vmem>>, vector<16xf32>,
    %swap3A_237 = vector.shape_cast %swap3A_236 : vector<16xf32> to vector<16xf32>
    %swap3A_238 = vector.shape_cast %broadcast_in_dim3A_234 : vector<16xf32> to vector<16xf32>
    tpu.vector_store %arg6[%swap3A_235], %swap3A_238 {strides = array<i32>} : memref<640xf32, #tpu.memory_space<vmem>>, vector<16xf32>,
    %broadcast_in_dim3A_239 = arith.constant 0.000000e+00 : f32
    %broadcast_in_dim3A_240 = vector.broadcast %broadcast_in_dim3A_239 : f32 to vector<16xf32>
    %swap3A_241 = arith.constant 512 : index
    %swap3A_242 = tpu.vector_load %arg6[%swap3A_241] {strides = array<i32>} : memref<640xf32, #tpu.memory_space<vmem>>, vector<16xf32>,
    %swap3A_243 = vector.shape_cast %swap3A_242 : vector<16xf32> to vector<16xf32>
    %swap3A_244 = vector.shape_cast %broadcast_in_dim3A_240 : vector<16xf32> to vector<16xf32>
    tpu.vector_store %arg6[%swap3A_241], %swap3A_244 {strides = array<i32>} : memref<640xf32, #tpu.memory_space<vmem>>, vector<16xf32>,
    %broadcast_in_dim3A_245 = arith.constant 0.000000e+00 : f32
    %broadcast_in_dim3A_246 = vector.broadcast %broadcast_in_dim3A_245 : f32 to vector<16xf32>
    %swap3A_247 = arith.constant 528 : index
    %swap3A_248 = tpu.vector_load %arg6[%swap3A_247] {strides = array<i32>} : memref<640xf32, #tpu.memory_space<vmem>>, vector<16xf32>,
    %swap3A_249 = vector.shape_cast %swap3A_248 : vector<16xf32> to vector<16xf32>
    %swap3A_250 = vector.shape_cast %broadcast_in_dim3A_246 : vector<16xf32> to vector<16xf32>
    tpu.vector_store %arg6[%swap3A_247], %swap3A_250 {strides = array<i32>} : memref<640xf32, #tpu.memory_space<vmem>>, vector<16xf32>,
    %broadcast_in_dim3A_251 = arith.constant 0.000000e+00 : f32
    %broadcast_in_dim3A_252 = vector.broadcast %broadcast_in_dim3A_251 : f32 to vector<16xf32>
    %swap3A_253 = arith.constant 544 : index
    %swap3A_254 = tpu.vector_load %arg6[%swap3A_253] {strides = array<i32>} : memref<640xf32, #tpu.memory_space<vmem>>, vector<16xf32>,
    %swap3A_255 = vector.shape_cast %swap3A_254 : vector<16xf32> to vector<16xf32>
    %swap3A_256 = vector.shape_cast %broadcast_in_dim3A_252 : vector<16xf32> to vector<16xf32>
    tpu.vector_store %arg6[%swap3A_253], %swap3A_256 {strides = array<i32>} : memref<640xf32, #tpu.memory_space<vmem>>, vector<16xf32>,
    %broadcast_in_dim3A_257 = arith.constant 0.000000e+00 : f32
    %broadcast_in_dim3A_258 = vector.broadcast %broadcast_in_dim3A_257 : f32 to vector<16xf32>
    %swap3A_259 = arith.constant 560 : index
    %swap3A_260 = tpu.vector_load %arg6[%swap3A_259] {strides = array<i32>} : memref<640xf32, #tpu.memory_space<vmem>>, vector<16xf32>,
    %swap3A_261 = vector.shape_cast %swap3A_260 : vector<16xf32> to vector<16xf32>
    %swap3A_262 = vector.shape_cast %broadcast_in_dim3A_258 : vector<16xf32> to vector<16xf32>
    tpu.vector_store %arg6[%swap3A_259], %swap3A_262 {strides = array<i32>} : memref<640xf32, #tpu.memory_space<vmem>>, vector<16xf32>,
    %broadcast_in_dim3A_263 = arith.constant 0.000000e+00 : f32
    %broadcast_in_dim3A_264 = vector.broadcast %broadcast_in_dim3A_263 : f32 to vector<16xf32>
    %swap3A_265 = arith.constant 576 : index
    %swap3A_266 = tpu.vector_load %arg6[%swap3A_265] {strides = array<i32>} : memref<640xf32, #tpu.memory_space<vmem>>, vector<16xf32>,
    %swap3A_267 = vector.shape_cast %swap3A_266 : vector<16xf32> to vector<16xf32>
    %swap3A_268 = vector.shape_cast %broadcast_in_dim3A_264 : vector<16xf32> to vector<16xf32>
    tpu.vector_store %arg6[%swap3A_265], %swap3A_268 {strides = array<i32>} : memref<640xf32, #tpu.memory_space<vmem>>, vector<16xf32>,
    %broadcast_in_dim3A_269 = arith.constant 0.000000e+00 : f32
    %broadcast_in_dim3A_270 = vector.broadcast %broadcast_in_dim3A_269 : f32 to vector<16xf32>
    %swap3A_271 = arith.constant 592 : index
    %swap3A_272 = tpu.vector_load %arg6[%swap3A_271] {strides = array<i32>} : memref<640xf32, #tpu.memory_space<vmem>>, vector<16xf32>,
    %swap3A_273 = vector.shape_cast %swap3A_272 : vector<16xf32> to vector<16xf32>
    %swap3A_274 = vector.shape_cast %broadcast_in_dim3A_270 : vector<16xf32> to vector<16xf32>
    tpu.vector_store %arg6[%swap3A_271], %swap3A_274 {strides = array<i32>} : memref<640xf32, #tpu.memory_space<vmem>>, vector<16xf32>,
    %broadcast_in_dim3A_275 = arith.constant 0.000000e+00 : f32
    %broadcast_in_dim3A_276 = vector.broadcast %broadcast_in_dim3A_275 : f32 to vector<16xf32>
    %swap3A_277 = arith.constant 608 : index
    %swap3A_278 = tpu.vector_load %arg6[%swap3A_277] {strides = array<i32>} : memref<640xf32, #tpu.memory_space<vmem>>, vector<16xf32>,
    %swap3A_279 = vector.shape_cast %swap3A_278 : vector<16xf32> to vector<16xf32>
    %swap3A_280 = vector.shape_cast %broadcast_in_dim3A_276 : vector<16xf32> to vector<16xf32>
    tpu.vector_store %arg6[%swap3A_277], %swap3A_280 {strides = array<i32>} : memref<640xf32, #tpu.memory_space<vmem>>, vector<16xf32>,
    %broadcast_in_dim3A_281 = arith.constant 0.000000e+00 : f32
    %broadcast_in_dim3A_282 = vector.broadcast %broadcast_in_dim3A_281 : f32 to vector<16xf32>
    %swap3A_283 = arith.constant 624 : index
    %swap3A_284 = tpu.vector_load %arg6[%swap3A_283] {strides = array<i32>} : memref<640xf32, #tpu.memory_space<vmem>>, vector<16xf32>,
    %swap3A_285 = vector.shape_cast %swap3A_284 : vector<16xf32> to vector<16xf32>
    %swap3A_286 = vector.shape_cast %broadcast_in_dim3A_282 : vector<16xf32> to vector<16xf32>
    tpu.vector_store %arg6[%swap3A_283], %swap3A_286 {strides = array<i32>} : memref<640xf32, #tpu.memory_space<vmem>>, vector<16xf32>,
    %mul3A_287 = arith.constant 640 : i32
    %mul3A_288 = arith.muli %arg1, %mul3A_287 : i32
    "tpu.region"() ({
      %run_scoped3A = tpu.sem_alloc : memref<!tpu.dma_semaphore, #tpu.memory_space<semaphore_mem>>
      %dma_start3A = tpu.memref_slice %arg7[%mul3A_288] : memref<10240xf32, #tpu.memory_space<vmem_shared>> -> memref<640xf32, #tpu.memory_space<vmem_shared>>
      %dma_start3A_299 = tpu.memref_slice %arg7[%mul3A_288] : memref<10240xf32, #tpu.memory_space<vmem_shared>> -> memref<640xf32, #tpu.memory_space<vmem_shared>>
      tpu.enqueue_dma source(%arg6 : memref<640xf32, #tpu.memory_space<vmem>>) target(%dma_start3A_299 : memref<640xf32, #tpu.memory_space<vmem_shared>>) target_semaphore(%run_scoped3A : memref<!tpu.dma_semaphore, #tpu.memory_space<semaphore_mem>>)
      %dma_wait3A = tpu.memref_slice %arg7[%mul3A_288] : memref<10240xf32, #tpu.memory_space<vmem_shared>> -> memref<640xf32, #tpu.memory_space<vmem_shared>>
      %dma_wait3A_300 = tpu.memref_slice %arg7[%mul3A_288] : memref<10240xf32, #tpu.memory_space<vmem_shared>> -> memref<640xf32, #tpu.memory_space<vmem_shared>>
      tpu.wait_dma2 semaphore(%run_scoped3A : memref<!tpu.dma_semaphore, #tpu.memory_space<semaphore_mem>>) src(%arg6 : memref<640xf32, #tpu.memory_space<vmem>>) dst(%dma_wait3A_300 : memref<640xf32, #tpu.memory_space<vmem_shared>>)
      tpu.yield
    }) : () -> ()
    %barrier3A = arith.constant 0 : index
    tpu.barrier barrier_id(%barrier3A)
    %scan3A = arith.constant 0 : i32
    %scan3A_289 = arith.constant 0 : i32
    %scan3A_290 = arith.constant 79 : i32
    %scan3A_291 = arith.addi %scan3A_289, %scan3A_290 : i32
    %scan3A_292 = arith.constant 1 : i32
    scf.for %scan3A_299 = %scan3A_289 to %scan3A_291 step %scan3A_292  : i32 {
      "tpu.region"() ({
        %run_scoped3A = tpu.sem_alloc : memref<!tpu.dma_semaphore, #tpu.memory_space<semaphore_mem>>
        %dma_start3A = arith.constant 0 : i32
        %dma_start3A_300 = tpu.memref_slice %arg4[%scan3A_299, %dma_start3A] : memref<79x128xi32, #tpu.memory_space<vmem>> -> memref<1x128xi32, #tpu.memory_space<vmem>>
        %dma_start3A_301 = tpu.memref_squeeze %dma_start3A_300 : memref<1x128xi32, #tpu.memory_space<vmem>> -> memref<128xi32, #tpu.memory_space<vmem>>
        %dma_start3A_302 = arith.constant 0 : i32
        %dma_start3A_303 = tpu.memref_slice %arg7[%dma_start3A_302] : memref<10240xf32, #tpu.memory_space<vmem_shared>> -> memref<10240xf32, #tpu.memory_space<vmem_shared>>
        tpu.enqueue_indirect_dma source(%arg5 : memref<128xf32, #tpu.memory_space<vmem>>) target(%dma_start3A_303 : memref<10240xf32, #tpu.memory_space<vmem_shared>>) offsets(%dma_start3A_301 : memref<128xi32, #tpu.memory_space<vmem>>) semaphore(%run_scoped3A : memref<!tpu.dma_semaphore, #tpu.memory_space<semaphore_mem>>) {add = true}
        %dma_wait3A = arith.constant 0 : i32
        %dma_wait3A_304 = tpu.memref_slice %arg4[%scan3A_299, %dma_wait3A] : memref<79x128xi32, #tpu.memory_space<vmem>> -> memref<1x128xi32, #tpu.memory_space<vmem>>
        %dma_wait3A_305 = tpu.memref_squeeze %dma_wait3A_304 : memref<1x128xi32, #tpu.memory_space<vmem>> -> memref<128xi32, #tpu.memory_space<vmem>>
        %dma_wait3A_306 = arith.constant 0 : i32
        %dma_wait3A_307 = tpu.memref_slice %arg7[%dma_wait3A_306] : memref<10240xf32, #tpu.memory_space<vmem_shared>> -> memref<10240xf32, #tpu.memory_space<vmem_shared>>
        tpu.wait_indirect_dma semaphore(%run_scoped3A : memref<!tpu.dma_semaphore, #tpu.memory_space<semaphore_mem>>) src(%arg5 : memref<128xf32, #tpu.memory_space<vmem>>) dst(%dma_wait3A_307 : memref<10240xf32, #tpu.memory_space<vmem_shared>>)
        tpu.yield
      }) : () -> ()
    }
    %scan3A_293 = arith.constant 79 : i32
    %barrier3A_294 = arith.constant 0 : index
    tpu.barrier barrier_id(%barrier3A_294)
    %mul3A_295 = arith.constant 640 : i32
    %mul3A_296 = arith.muli %arg1, %mul3A_295 : i32
    %mul3A_297 = arith.constant 640 : i32
    %mul3A_298 = arith.muli %arg1, %mul3A_297 : i32
    "tpu.region"() ({
      %run_scoped3A = tpu.sem_alloc : memref<!tpu.dma_semaphore, #tpu.memory_space<semaphore_mem>>
      %dma_start3A = tpu.memref_slice %arg3[%arg0, %mul3A_298] : memref<2x10240xf32, #tpu.memory_space<hbm>> -> memref<1x640xf32, #tpu.memory_space<hbm>>
      %dma_start3A_299 = tpu.memref_squeeze %dma_start3A : memref<1x640xf32, #tpu.memory_space<hbm>> -> memref<640xf32, #tpu.memory_space<hbm>>
      %dma_start3A_300 = tpu.memref_slice %arg7[%mul3A_296] : memref<10240xf32, #tpu.memory_space<vmem_shared>> -> memref<640xf32, #tpu.memory_space<vmem_shared>>
      tpu.enqueue_dma source(%dma_start3A_300 : memref<640xf32, #tpu.memory_space<vmem_shared>>) target(%dma_start3A_299 : memref<640xf32, #tpu.memory_space<hbm>>) target_semaphore(%run_scoped3A : memref<!tpu.dma_semaphore, #tpu.memory_space<semaphore_mem>>)
      %dma_wait3A = tpu.memref_slice %arg3[%arg0, %mul3A_298] : memref<2x10240xf32, #tpu.memory_space<hbm>> -> memref<1x640xf32, #tpu.memory_space<hbm>>
      %dma_wait3A_301 = tpu.memref_squeeze %dma_wait3A : memref<1x640xf32, #tpu.memory_space<hbm>> -> memref<640xf32, #tpu.memory_space<hbm>>
      %dma_wait3A_302 = tpu.memref_slice %arg7[%mul3A_296] : memref<10240xf32, #tpu.memory_space<vmem_shared>> -> memref<640xf32, #tpu.memory_space<vmem_shared>>
      tpu.wait_dma2 semaphore(%run_scoped3A : memref<!tpu.dma_semaphore, #tpu.memory_space<semaphore_mem>>) src(%dma_wait3A_302 : memref<640xf32, #tpu.memory_space<vmem_shared>>) dst(%dma_wait3A_301 : memref<640xf32, #tpu.memory_space<hbm>>)
      tpu.yield
    }) : () -> ()
    return
  }
}

module attributes {stable_mosaic.version = 14 : i64} {
  func.func @_zk_body(%arg0: i32, %arg1: memref<2048x128xf32, #tpu.memory_space<vmem>>, %arg2: memref<128x128xf32, #tpu.memory_space<vmem>>, %arg3: memref<2048x2xf32, #tpu.memory_space<vmem>>, %arg4: memref<2048x128xf32, #tpu.memory_space<vmem>>, %arg5: memref<2048x1xf32, #tpu.memory_space<vmem>>) attributes {dimension_semantics = [#tpu.dimension_semantics<arbitrary>], iteration_bounds = array<i64: 5>, scalar_prefetch = 0 : i64, scratch_operands = 0 : i64, tpu.core_type = #tpu.core_type<tc>, window_params = [{transform_indices = @transform_0, window_bounds = array<i64: 2048, 128>}, {pipeline_mode = #tpu.pipeline_mode<synchronous>, transform_indices = @transform_1, window_bounds = array<i64: 128, 128>}, {transform_indices = @transform_2, window_bounds = array<i64: 2048, 2>}, {transform_indices = @transform_3, window_bounds = array<i64: 2048, 128>}, {transform_indices = @transform_4, window_bounds = array<i64: 2048, 1>}]} {
    %get3A = arith.constant 0 : index
    %get3A_0 = arith.constant 0 : index
    %get3A_1 = vector.load %arg3[%get3A, %get3A_0] : memref<2048x2xf32, #tpu.memory_space<vmem>>, vector<2048x2xf32>
    %slice3A = vector.extract_strided_slice %get3A_1 {offsets = [0, 0], sizes = [2048, 1], strides = [1, 1]} : vector<2048x2xf32> to vector<2048x1xf32>
    %slice3A_2 = vector.extract_strided_slice %get3A_1 {offsets = [0, 1], sizes = [2048, 1], strides = [1, 1]} : vector<2048x2xf32> to vector<2048x1xf32>
    %add3A = arith.addf %slice3A, %slice3A_2 : vector<2048x1xf32>
    %add3A_3 = arith.constant 1.000000e+00 : f32
    %add3A_4 = vector.broadcast %add3A_3 : f32 to vector<2048x1xf32>
    %add3A_5 = arith.addf %add3A, %add3A_4 : vector<2048x1xf32>
    %rsqrt3A = math.rsqrt %add3A_5 : vector<2048x1xf32>
    %get3A_6 = arith.constant 0 : index
    %get3A_7 = arith.constant 0 : index
    %get3A_8 = vector.load %arg1[%get3A_6, %get3A_7] : memref<2048x128xf32, #tpu.memory_space<vmem>>, vector<2048x128xf32>
    %get3A_9 = arith.constant 0 : index
    %get3A_10 = arith.constant 0 : index
    %get3A_11 = vector.load %arg2[%get3A_9, %get3A_10] : memref<128x128xf32, #tpu.memory_space<vmem>>, vector<128x128xf32>
    %dot_general3A = arith.constant dense<0.000000e+00> : vector<2048x128xf32>
    %dot_general3A_12 = tpu.matmul %get3A_8, %get3A_11, %dot_general3A {dimension_numbers = #tpu.dot_dimension_numbers<[1], [0], [0], [1], [0, 0, 1, 1], [], []>, transpose_lhs_hint = false} : vector<2048x128xf32>, vector<128x128xf32>, vector<2048x128xf32> -> vector<2048x128xf32>
    %mul3A = vector.broadcast %rsqrt3A : vector<2048x1xf32> to vector<2048x128xf32>
    %mul3A_13 = arith.mulf %dot_general3A_12, %mul3A : vector<2048x128xf32>
    %swap3A = arith.constant 0 : index
    %swap3A_14 = arith.constant 0 : index
    %swap3A_15 = vector.load %arg4[%swap3A, %swap3A_14] : memref<2048x128xf32, #tpu.memory_space<vmem>>, vector<2048x128xf32>
    tpu.vector_store %arg4[%swap3A, %swap3A_14], %mul3A_13 {strides = array<i32>} : memref<2048x128xf32, #tpu.memory_space<vmem>>, vector<2048x128xf32>,
    %swap3A_16 = arith.constant 0 : index
    %swap3A_17 = arith.constant 0 : index
    %swap3A_18 = vector.load %arg5[%swap3A_16, %swap3A_17] : memref<2048x1xf32, #tpu.memory_space<vmem>>, vector<2048x1xf32>
    tpu.vector_store %arg5[%swap3A_16, %swap3A_17], %rsqrt3A {strides = array<i32>} : memref<2048x1xf32, #tpu.memory_space<vmem>>, vector<2048x1xf32>,
    return
  }
  func.func @transform_0(%arg0: i32) -> (i32, i32) {
    %c0_i32 = arith.constant 0 : i32
    %c0_i32_0 = arith.constant 0 : i32
    return %arg0, %c0_i32 : i32, i32
  }
  func.func @transform_1(%arg0: i32) -> (i32, i32) {
    %c0_i32 = arith.constant 0 : i32
    %c0_i32_0 = arith.constant 0 : i32
    %c0_i32_1 = arith.constant 0 : i32
    return %c0_i32, %c0_i32_0 : i32, i32
  }
  func.func @transform_2(%arg0: i32) -> (i32, i32) {
    %c0_i32 = arith.constant 0 : i32
    %c0_i32_0 = arith.constant 0 : i32
    return %arg0, %c0_i32 : i32, i32
  }
  func.func @transform_3(%arg0: i32) -> (i32, i32) {
    %c0_i32 = arith.constant 0 : i32
    %c0_i32_0 = arith.constant 0 : i32
    return %arg0, %c0_i32 : i32, i32
  }
  func.func @transform_4(%arg0: i32) -> (i32, i32) {
    %c0_i32 = arith.constant 0 : i32
    %c0_i32_0 = arith.constant 0 : i32
    return %arg0, %c0_i32 : i32, i32
  }
}

module attributes {stable_mosaic.version = 14 : i64} {
  func.func @_mid_body(%arg0: i32, %arg1: memref<2x2048x128xf32, #tpu.memory_space<vmem>>, %arg2: memref<2048x128xf32, #tpu.memory_space<vmem>>, %arg3: memref<2048x1xf32, #tpu.memory_space<vmem>>, %arg4: memref<2048x128xf32, #tpu.memory_space<vmem>>) attributes {dimension_semantics = [#tpu.dimension_semantics<arbitrary>], iteration_bounds = array<i64: 5>, scalar_prefetch = 0 : i64, scratch_operands = 0 : i64, tpu.core_type = #tpu.core_type<tc>, window_params = [{transform_indices = @transform_0, window_bounds = array<i64: 2, 2048, 128>}, {transform_indices = @transform_1, window_bounds = array<i64: 2048, 128>}, {transform_indices = @transform_2, window_bounds = array<i64: 2048, 1>}, {transform_indices = @transform_3, window_bounds = array<i64: 2048, 128>}]} {
    %get3A = arith.constant 0 : index
    %get3A_0 = arith.constant 0 : index
    %get3A_1 = arith.constant 0 : index
    %get3A_2 = vector.load %arg1[%get3A, %get3A_0, %get3A_1] : memref<2x2048x128xf32, #tpu.memory_space<vmem>>, vector<1x2048x128xf32>
    %get3A_3 = vector.shape_cast %get3A_2 : vector<1x2048x128xf32> to vector<2048x128xf32>
    %get3A_4 = arith.constant 1 : index
    %get3A_5 = arith.constant 0 : index
    %get3A_6 = arith.constant 0 : index
    %get3A_7 = vector.load %arg1[%get3A_4, %get3A_5, %get3A_6] : memref<2x2048x128xf32, #tpu.memory_space<vmem>>, vector<1x2048x128xf32>
    %get3A_8 = vector.shape_cast %get3A_7 : vector<1x2048x128xf32> to vector<2048x128xf32>
    %add3A = arith.addf %get3A_3, %get3A_8 : vector<2048x128xf32>
    %get3A_9 = arith.constant 0 : index
    %get3A_10 = arith.constant 0 : index
    %get3A_11 = vector.load %arg3[%get3A_9, %get3A_10] : memref<2048x1xf32, #tpu.memory_space<vmem>>, vector<2048x1xf32>
    %get3A_12 = arith.constant 0 : index
    %get3A_13 = arith.constant 0 : index
    %get3A_14 = vector.load %arg2[%get3A_12, %get3A_13] : memref<2048x128xf32, #tpu.memory_space<vmem>>, vector<2048x128xf32>
    %add3A_15 = arith.addf %add3A, %get3A_14 : vector<2048x128xf32>
    %mul3A = arith.mulf %get3A_11, %get3A_11 : vector<2048x1xf32>
    %mul3A_16 = vector.broadcast %mul3A : vector<2048x1xf32> to vector<2048x128xf32>
    %mul3A_17 = arith.mulf %add3A_15, %mul3A_16 : vector<2048x128xf32>
    %swap3A = arith.constant 0 : index
    %swap3A_18 = arith.constant 0 : index
    %swap3A_19 = vector.load %arg4[%swap3A, %swap3A_18] : memref<2048x128xf32, #tpu.memory_space<vmem>>, vector<2048x128xf32>
    tpu.vector_store %arg4[%swap3A, %swap3A_18], %mul3A_17 {strides = array<i32>} : memref<2048x128xf32, #tpu.memory_space<vmem>>, vector<2048x128xf32>,
    return
  }
  func.func @transform_0(%arg0: i32) -> (i32, i32, i32) {
    %c0_i32 = arith.constant 0 : i32
    %c0_i32_0 = arith.constant 0 : i32
    %c0_i32_1 = arith.constant 0 : i32
    return %c0_i32, %arg0, %c0_i32_0 : i32, i32, i32
  }
  func.func @transform_1(%arg0: i32) -> (i32, i32) {
    %c0_i32 = arith.constant 0 : i32
    %c0_i32_0 = arith.constant 0 : i32
    return %arg0, %c0_i32 : i32, i32
  }
  func.func @transform_2(%arg0: i32) -> (i32, i32) {
    %c0_i32 = arith.constant 0 : i32
    %c0_i32_0 = arith.constant 0 : i32
    return %arg0, %c0_i32 : i32, i32
  }
  func.func @transform_3(%arg0: i32) -> (i32, i32) {
    %c0_i32 = arith.constant 0 : i32
    %c0_i32_0 = arith.constant 0 : i32
    return %arg0, %c0_i32 : i32, i32
  }
}

module attributes {stable_mosaic.version = 14 : i64} {
  func.func @_fin_body(%arg0: i32, %arg1: memref<2x2048x128xf32, #tpu.memory_space<vmem>>, %arg2: memref<2048x128xf32, #tpu.memory_space<vmem>>, %arg3: memref<2048x1xf32, #tpu.memory_space<vmem>>, %arg4: memref<1x128xf32, #tpu.memory_space<vmem>>, %arg5: memref<128x128xf32, #tpu.memory_space<vmem>>, %arg6: memref<1x128xf32, #tpu.memory_space<vmem>>, %arg7: memref<1x128xf32, #tpu.memory_space<vmem>>, %arg8: memref<1x128xf32, #tpu.memory_space<vmem>>) attributes {dimension_semantics = [#tpu.dimension_semantics<arbitrary>], iteration_bounds = array<i64: 5>, scalar_prefetch = 0 : i64, scratch_operands = 1 : i64, tpu.core_type = #tpu.core_type<tc>, window_params = [{transform_indices = @transform_0, window_bounds = array<i64: 2, 2048, 128>}, {transform_indices = @transform_1, window_bounds = array<i64: 2048, 128>}, {transform_indices = @transform_2, window_bounds = array<i64: 2048, 1>}, {pipeline_mode = #tpu.pipeline_mode<synchronous>, transform_indices = @transform_3, window_bounds = array<i64: 1, 128>}, {pipeline_mode = #tpu.pipeline_mode<synchronous>, transform_indices = @transform_4, window_bounds = array<i64: 128, 128>}, {pipeline_mode = #tpu.pipeline_mode<synchronous>, transform_indices = @transform_5, window_bounds = array<i64: 1, 128>}, {pipeline_mode = #tpu.pipeline_mode<synchronous>, transform_indices = @transform_6, window_bounds = array<i64: 1, 128>}]} {
    %eq3A = arith.constant 0 : i32
    %eq3A_0 = arith.cmpi eq, %arg0, %eq3A : i32
    %convert_element_type3A = arith.extui %eq3A_0 : i1 to i32
    %cond3A = arith.constant 0 : i32
    %cond3A_1 = arith.cmpi ne, %convert_element_type3A, %cond3A : i32
    scf.if %cond3A_1 {
      %broadcast_in_dim3A_47 = arith.constant 0.000000e+00 : f32
      %broadcast_in_dim3A_48 = vector.broadcast %broadcast_in_dim3A_47 : f32 to vector<1x128xf32>
      %swap3A_49 = arith.constant 0 : index
      %swap3A_50 = arith.constant 0 : index
      %swap3A_51 = vector.load %arg8[%swap3A_49, %swap3A_50] : memref<1x128xf32, #tpu.memory_space<vmem>>, vector<1x128xf32>
      tpu.vector_store %arg8[%swap3A_49, %swap3A_50], %broadcast_in_dim3A_48 {strides = array<i32>} : memref<1x128xf32, #tpu.memory_space<vmem>>, vector<1x128xf32>,
    } else {
    }
    %get3A = arith.constant 0 : index
    %get3A_2 = arith.constant 0 : index
    %get3A_3 = arith.constant 0 : index
    %get3A_4 = vector.load %arg1[%get3A, %get3A_2, %get3A_3] : memref<2x2048x128xf32, #tpu.memory_space<vmem>>, vector<1x2048x128xf32>
    %get3A_5 = vector.shape_cast %get3A_4 : vector<1x2048x128xf32> to vector<2048x128xf32>
    %get3A_6 = arith.constant 1 : index
    %get3A_7 = arith.constant 0 : index
    %get3A_8 = arith.constant 0 : index
    %get3A_9 = vector.load %arg1[%get3A_6, %get3A_7, %get3A_8] : memref<2x2048x128xf32, #tpu.memory_space<vmem>>, vector<1x2048x128xf32>
    %get3A_10 = vector.shape_cast %get3A_9 : vector<1x2048x128xf32> to vector<2048x128xf32>
    %add3A = arith.addf %get3A_5, %get3A_10 : vector<2048x128xf32>
    %get3A_11 = arith.constant 0 : index
    %get3A_12 = arith.constant 0 : index
    %get3A_13 = vector.load %arg2[%get3A_11, %get3A_12] : memref<2048x128xf32, #tpu.memory_space<vmem>>, vector<2048x128xf32>
    %add3A_14 = arith.addf %add3A, %get3A_13 : vector<2048x128xf32>
    %get3A_15 = arith.constant 0 : index
    %get3A_16 = arith.constant 0 : index
    %get3A_17 = vector.load %arg3[%get3A_15, %get3A_16] : memref<2048x1xf32, #tpu.memory_space<vmem>>, vector<2048x1xf32>
    %mul3A = vector.broadcast %get3A_17 : vector<2048x1xf32> to vector<2048x128xf32>
    %mul3A_18 = arith.mulf %add3A_14, %mul3A : vector<2048x128xf32>
    %get3A_19 = arith.constant 0 : index
    %get3A_20 = arith.constant 0 : index
    %get3A_21 = vector.load %arg4[%get3A_19, %get3A_20] : memref<1x128xf32, #tpu.memory_space<vmem>>, vector<1x128xf32>
    %add3A_22 = vector.broadcast %get3A_21 : vector<1x128xf32> to vector<2048x128xf32>
    %add3A_23 = arith.addf %mul3A_18, %add3A_22 : vector<2048x128xf32>
    %max3A = arith.constant 0.000000e+00 : f32
    %max3A_24 = vector.broadcast %max3A : f32 to vector<2048x128xf32>
    %max3A_25 = arith.maximumf %add3A_23, %max3A_24 : vector<2048x128xf32>
    %mul3A_26 = arith.constant 2048 : i32
    %mul3A_27 = arith.muli %arg0, %mul3A_26 : i32
    %iota3A = tpu.iota {dimensions = array<i32: 0>} : vector<2048x1xi32>
    %add3A_28 = vector.broadcast %mul3A_27 : i32 to vector<2048x1xi32>
    %add3A_29 = arith.addi %add3A_28, %iota3A : vector<2048x1xi32>
    %lt3A = arith.constant 10000 : i32
    %lt3A_30 = vector.broadcast %lt3A : i32 to vector<2048x1xi32>
    %lt3A_31 = arith.cmpi slt, %add3A_29, %lt3A_30 : vector<2048x1xi32>
    %jit3A = arith.constant 0.000000e+00 : f32
    %broadcast_in_dim3A = vector.shape_cast %lt3A_31 : vector<2048x1xi1> to vector<2048x1xi1>
    %broadcast_in_dim3A_32 = vector.broadcast %broadcast_in_dim3A : vector<2048x1xi1> to vector<2048x128xi1>
    %broadcast_in_dim3A_33 = vector.broadcast %jit3A : f32 to vector<2048x128xf32>
    %select_n3A = arith.select %broadcast_in_dim3A_32, %max3A_25, %broadcast_in_dim3A_33 : vector<2048x128xi1>, vector<2048x128xf32>
    %get3A_34 = arith.constant 0 : index
    %get3A_35 = arith.constant 0 : index
    %get3A_36 = vector.load %arg8[%get3A_34, %get3A_35] : memref<1x128xf32, #tpu.memory_space<vmem>>, vector<1x128xf32>
    %reduce_sum3A = arith.constant dense<0.000000e+00> : vector<128xf32>
    %reduce_sum3A_37 = vector.multi_reduction <add>, %select_n3A, %reduce_sum3A [0] : vector<2048x128xf32> to vector<128xf32>
    %broadcast_in_dim3A_38 = vector.shape_cast %reduce_sum3A_37 : vector<128xf32> to vector<1x128xf32>
    %add3A_39 = arith.addf %get3A_36, %broadcast_in_dim3A_38 : vector<1x128xf32>
    %swap3A = arith.constant 0 : index
    %swap3A_40 = arith.constant 0 : index
    %swap3A_41 = vector.load %arg8[%swap3A, %swap3A_40] : memref<1x128xf32, #tpu.memory_space<vmem>>, vector<1x128xf32>
    tpu.vector_store %arg8[%swap3A, %swap3A_40], %add3A_39 {strides = array<i32>} : memref<1x128xf32, #tpu.memory_space<vmem>>, vector<1x128xf32>,
    %eq3A_42 = arith.constant 4 : i32
    %eq3A_43 = arith.cmpi eq, %arg0, %eq3A_42 : i32
    %convert_element_type3A_44 = arith.extui %eq3A_43 : i1 to i32
    %cond3A_45 = arith.constant 0 : i32
    %cond3A_46 = arith.cmpi ne, %convert_element_type3A_44, %cond3A_45 : i32
    scf.if %cond3A_46 {
      %get3A_47 = arith.constant 0 : index
      %get3A_48 = arith.constant 0 : index
      %get3A_49 = vector.load %arg8[%get3A_47, %get3A_48] : memref<1x128xf32, #tpu.memory_space<vmem>>, vector<1x128xf32>
      %mul3A_50 = arith.constant 9.99999974E-5 : f32
      %mul3A_51 = vector.broadcast %mul3A_50 : f32 to vector<1x128xf32>
      %mul3A_52 = arith.mulf %get3A_49, %mul3A_51 : vector<1x128xf32>
      %get3A_53 = arith.constant 0 : index
      %get3A_54 = arith.constant 0 : index
      %get3A_55 = vector.load %arg5[%get3A_53, %get3A_54] : memref<128x128xf32, #tpu.memory_space<vmem>>, vector<128x128xf32>
      %dot_general3A = arith.constant dense<0.000000e+00> : vector<1x128xf32>
      %dot_general3A_56 = tpu.matmul %mul3A_52, %get3A_55, %dot_general3A {dimension_numbers = #tpu.dot_dimension_numbers<[1], [0], [0], [1], [0, 0, 1, 1], [], []>, transpose_lhs_hint = false} : vector<1x128xf32>, vector<128x128xf32>, vector<1x128xf32> -> vector<1x128xf32>
      %get3A_57 = arith.constant 0 : index
      %get3A_58 = arith.constant 0 : index
      %get3A_59 = vector.load %arg6[%get3A_57, %get3A_58] : memref<1x128xf32, #tpu.memory_space<vmem>>, vector<1x128xf32>
      %add3A_60 = arith.addf %dot_general3A_56, %get3A_59 : vector<1x128xf32>
      %swap3A_61 = arith.constant 0 : index
      %swap3A_62 = arith.constant 0 : index
      %swap3A_63 = vector.load %arg7[%swap3A_61, %swap3A_62] : memref<1x128xf32, #tpu.memory_space<vmem>>, vector<1x128xf32>
      tpu.vector_store %arg7[%swap3A_61, %swap3A_62], %add3A_60 {strides = array<i32>} : memref<1x128xf32, #tpu.memory_space<vmem>>, vector<1x128xf32>,
    } else {
    }
    return
  }
  func.func @transform_0(%arg0: i32) -> (i32, i32, i32) {
    %c0_i32 = arith.constant 0 : i32
    %c0_i32_0 = arith.constant 0 : i32
    %c0_i32_1 = arith.constant 0 : i32
    return %c0_i32, %arg0, %c0_i32_0 : i32, i32, i32
  }
  func.func @transform_1(%arg0: i32) -> (i32, i32) {
    %c0_i32 = arith.constant 0 : i32
    %c0_i32_0 = arith.constant 0 : i32
    return %arg0, %c0_i32 : i32, i32
  }
  func.func @transform_2(%arg0: i32) -> (i32, i32) {
    %c0_i32 = arith.constant 0 : i32
    %c0_i32_0 = arith.constant 0 : i32
    return %arg0, %c0_i32 : i32, i32
  }
  func.func @transform_3(%arg0: i32) -> (i32, i32) {
    %c0_i32 = arith.constant 0 : i32
    %c0_i32_0 = arith.constant 0 : i32
    %c0_i32_1 = arith.constant 0 : i32
    return %c0_i32, %c0_i32_0 : i32, i32
  }
  func.func @transform_4(%arg0: i32) -> (i32, i32) {
    %c0_i32 = arith.constant 0 : i32
    %c0_i32_0 = arith.constant 0 : i32
    %c0_i32_1 = arith.constant 0 : i32
    return %c0_i32, %c0_i32_0 : i32, i32
  }
  func.func @transform_5(%arg0: i32) -> (i32, i32) {
    %c0_i32 = arith.constant 0 : i32
    %c0_i32_0 = arith.constant 0 : i32
    %c0_i32_1 = arith.constant 0 : i32
    return %c0_i32, %c0_i32_0 : i32, i32
  }
  func.func @transform_6(%arg0: i32) -> (i32, i32) {
    %c0_i32 = arith.constant 0 : i32
    %c0_i32_0 = arith.constant 0 : i32
    %c0_i32_1 = arith.constant 0 : i32
    return %c0_i32, %c0_i32_0 : i32, i32
  }
}

</mosaic_0001>

<sc_bundles>
// kernel: kernel.11.cloned.1.call-start
scs
__scs_entry_jumppad:
0x0: {  	(pc) =	sbr.rel $0x88, $3  }
0x1: {  	(tag) =	ssettag $0x0;
	lr =	simm.s32 $0x1  }
0x2: {  	[smem:$0x3F9B] =	sst lr;
	_ =	strace $0xD0000000  }
0x3: {  	_ = 	snop  }
0x4: {  	_ = 	snop  }
0x5: {  	_ = 	snop  }
0x6: {  	_ = 	snop  }
0x7: {  	_ = 	snop  }
__scs_overlays_trampoline_lowered:
0x8: {  	[smem:$0x3FAA] =	sst s0  }
0x9: {  	[smem:$0x3FAB] =	sst s1  }
0xa: {  	[smem:$0x3FAC] =	sst s2  }
0xb: {  	[smem:$0x3FAD] =	sst s3  }
0xc: {  	[smem:$0x3FAE] =	sst s4  }
0xd: {  	[smem:$0x3FAF] =	sst s5  }
0xe: {  	[smem:$0x3FB0] =	sst s6  }
0xf: {  	[smem:$0x3FB1] =	sst s7  }
0x10: {  	[smem:$0x3FB2] =	sst s8  }
0x11: {  	[smem:$0x3FB3] =	sst s9;
	s0 =	simm.s32 @!p0 $0x0  }
0x12: {  	s1 =	sld [smem:$0x3F99];
	s0 =	simm.s32 @p0 $0x1  }
0x13: {  	[smem:$0x3FB4] =	sst s0;
	s0 =	simm.s32 @!p1 $0x0  }
0x14: {  	s2 =	sld [smem:$0x3F98];
	s0 =	simm.s32 @p1 $0x1  }
0x15: {  	[smem:$0x3FB5] =	sst s0;
	s0 =	simm.s32 @!p2 $0x0  }
0x16: {  	s3 =	sld [smem:$0x3FDB];
	s0 =	simm.s32 @p2 $0x1  }
0x17: {  	s4 =	simm.s32 $0x1BF5;
	[smem:$0x3FB7] =	sst s0  }
0x18: {  	s0 =	sld [smem:$0x3F9A];
	_ =	swait.ge [sflag:s4], $0x0  }
0x19: {  	s7 =	sld [smem:$0x3F9B]  }
0x1a: {  	s8 =	sadd.s32 $0xFFFFE003, lr  }
0x1b: {  	s9 =	sadd.s32 $0xFFFFFEF7, lr;
	s5 =	simm.s32 $0xFFFFFFFF;
	p2 =	slt.u32 s8, $0xFFFFF086  }
0x1c: {  	p1 =	slt.u32 s9, $0xF7A;
	s5 =	simm.s32 @!p2 $0x0  }
0x1d: {  	s5 =	simm.s32 @p1 $0x1;
	p0 =	seq.s32 s7, s2  }
0x1e: {  	s7 =	smul.u32 @!p0 $0xF7A, s2;
	p2 =	seq.s32 @!p0 s5, $0x0  }
0x1f: {  	s9 =	smul.u32 $0xF7A, s1;
	s8 =	simm.s32 @!p0 $0x1BF5;
	p2 =	por !p2, p0  }
0x20: {  	[sflag:s8] =	ssyncset.s32 @!p0 $0xFFFFF086;
	s6 =	sadd.s32 @!p0 s3, s7;
	s7 =	simm.s32 @!p0 $0x108  }
0x21: {  	s3 =	sadd.s32 s3, s9;
	s6 =	sadd.s32 @!p0 $0x88, s6;
	s7 =	simm.s32 @p2 $0x1082  }
0x22: {  	[simem:s7], [sflag:s8] =	dma.local @!p0 [hbm:s6], $0xF7A  }
0x23: {  	s9 =	sor.u32 $0xD0000000, s2;
	s6 =	simm.s32 $0x108;
	_ =	swait.ge @!p0 [sflag:s8], $0x0  }
0x24: {  	s3 =	sadd.s32 $0x88, s3;
	s6 =	simm.s32 @!p1 $0x1082;
	[sflag:s4] =	ssyncset.s32 $0xFFFFF086  }
0x25: {  	[simem:s6], [sflag:s4] =	dma.local [hbm:s3], $0xF7A  }
0x26: {  	[smem:$0x3F9B] =	sst s1;
	(tag) =	ssettag s2;
	_ =	strace s9  }
0x27: {  	s1 =	sld [smem:$0x3FAB]  }
0x28: {  	s2 =	sld [smem:$0x3FAC]  }
0x29: {  	s4 =	sld [smem:$0x3FAE]  }
0x2a: {  	p0 =	seq.s32 s5, $0x0;
	s5 =	sld [smem:$0x3FAF]  }
0x2b: {  	s6 =	sld [smem:$0x3FB0]  }
0x2c: {  	s7 =	sld [smem:$0x3FB1]  }
0x2d: {  	s3 =	simm.s32 $0x108;
	s8 =	sld [smem:$0x3FB2]  }
0x2e: {  	s3 =	simm.s32 @!p0 $0x1082;
	s9 =	sld [smem:$0x3FB3]  }
0x2f: {  	lr =	sadd.s32 s0, s3;
	s0 =	sld [smem:$0x3FAA]  }
0x30: {  	s3 =	sld [smem:$0x3FAD]  }
0x31: {  	[smem:$0x3FB6] =	sst s10  }
0x32: {  	s10 =	sld [smem:$0x3FB4];
	_ =	sdelay $0x3  }
0x33: {  	p0 =	seq.s32 s10, $0x1;
	s10 =	sld [smem:$0x3FB6];
	_ =	sdelay $0x3  }
0x34: {  	[smem:$0x3FB6] =	sst s10  }
0x35: {  	s10 =	sld [smem:$0x3FB5];
	_ =	sdelay $0x3  }
0x36: {  	p1 =	seq.s32 s10, $0x1;
	s10 =	sld [smem:$0x3FB6];
	_ =	sdelay $0x3  }
0x37: {  	[smem:$0x3FB6] =	sst s10  }
0x38: {  	s10 =	sld [smem:$0x3FB7]  }
0x39: {  	_ = 	snop;
	(pc) =	sbr.ind lr, $3  }
0x3a: {  	_ = 	snop  }
0x3b: {  	_ = 	snop  }
0x3c: {  	p2 =	seq.s32 s10, $0x1;
	s10 =	sld [smem:$0x3FB6]  }
0x3d: {  	_ =	shalt  }
0x3e: {  	_ =	shalt  }
0x3f: {  	_ =	shalt  }
0x40: {  	_ =	shalt  }
0x41: {  	_ =	shalt  }
0x42: {  	_ =	shalt  }
0x43: {  	_ =	shalt  }
0x44: {  	_ =	shalt  }
0x45: {  	_ =	shalt  }
0x46: {  	_ =	shalt  }
0x47: {  	_ =	shalt  }
0x48: {  	_ =	shalt  }
0x49: {  	_ =	shalt  }
0x4a: {  	_ =	shalt  }
0x4b: {  	_ =	shalt  }
0x4c: {  	_ =	shalt  }
0x4d: {  	_ =	shalt  }
0x4e: {  	_ =	shalt  }
0x4f: {  	_ =	shalt  }
0x50: {  	_ =	shalt  }
0x51: {  	_ =	shalt  }
0x52: {  	_ =	shalt  }
0x53: {  	_ =	shalt  }
0x54: {  	_ =	shalt  }
0x55: {  	_ =	shalt  }
0x56: {  	_ =	shalt  }
0x57: {  	_ =	shalt  }
0x58: {  	_ =	shalt  }
0x59: {  	_ =	shalt  }
0x5a: {  	_ =	shalt  }
0x5b: {  	_ =	shalt  }
0x5c: {  	_ =	shalt  }
0x5d: {  	_ =	shalt  }
0x5e: {  	_ =	shalt  }
0x5f: {  	_ =	shalt  }
0x60: {  	_ =	shalt  }
0x61: {  	_ =	shalt  }
0x62: {  	_ =	shalt  }
0x63: {  	_ =	shalt  }
0x64: {  	_ =	shalt  }
0x65: {  	_ =	shalt  }
0x66: {  	_ =	shalt  }
0x67: {  	_ =	shalt  }
0x68: {  	_ =	shalt  }
0x69: {  	_ =	shalt  }
0x6a: {  	_ =	shalt  }
0x6b: {  	_ =	shalt  }
0x6c: {  	_ =	shalt  }
0x6d: {  	_ =	shalt  }
0x6e: {  	_ =	shalt  }
0x6f: {  	_ =	shalt  }
0x70: {  	_ =	shalt  }
0x71: {  	_ =	shalt  }
0x72: {  	_ =	shalt  }
0x73: {  	_ =	shalt  }
0x74: {  	_ =	shalt  }
0x75: {  	_ =	shalt  }
0x76: {  	_ =	shalt  }
0x77: {  	_ =	shalt  }
0x78: {  	_ =	shalt  }
0x79: {  	_ =	shalt  }
0x7a: {  	_ =	shalt  }
0x7b: {  	_ =	shalt  }
0x7c: {  	_ =	shalt  }
0x7d: {  	_ =	shalt  }
0x7e: {  	_ =	shalt  }
0x7f: {  	_ =	shalt  }
0x80: {  	_ =	shalt  }
0x81: {  	_ =	shalt  }
0x82: {  	_ =	shalt  }
0x83: {  	_ =	shalt  }
0x84: {  	_ =	shalt  }
0x85: {  	_ =	shalt  }
0x86: {  	_ =	shalt  }
0x87: {  	_ =	shalt  }
.Lfunc_end0:
.L_simem_size_0:
called_computation.1_lowered:
.L_overlay_start_0:
0x88: {  	s2 =	sld [smem:$0x3FD9]  }
0x89: {  	s3 =	sld [smem:$0x3FFE];
	_ =	sdelay $0x1  }
0x8a: {  	s1 =	srdreg.scid  }
0x8b: {  	s0 =	sand.u32 $0x1, s1  }
0x8c: {  	s16 =	sshll.u32 s0, $0xA;
	s2 =	sadd.s32 s3, s2  }
0x8d: {  	s2 =	sadd.s32 s2, s16  }
0x8e: {  	[smem:$0x3FC2] =	sst s2  }
0x8f: {  	_ = 	snop  }
0x90: {  	(tm) =	ssettm $0x1  }
0x91: {  	s17 =	sld [smem:$0x3FFB];
	_ =	sdelay $0x3  }
0x92: {  	_ =	strace s17  }
0x93: {  	s2 =	sld [smem:$0x3FFC];
	_ =	sdelay $0x3  }
0x94: {  	_ =	strace s2  }
0x95: {  	s2 =	sld [smem:$0x3FFD];
	_ =	sdelay $0x3  }
0x96: {  	_ =	strace s2  }
0x97: {  	_ =	strace $0x8FFFFFFF  }
0x98: {  	s18 =	sld [smem:$0x3FDB];
	_ =	sdelay $0x1  }
0x99: {  	s19 =	simm.s32 $_scs_section_size  }
0x9a: {  	s4 =	simm.s32 $_size__tile_overlayer_lowered;
	s5 =	simm.s32 $_tile_overlayer_lowered  }
0x9b: {  	s22 =	simm.s32 $0x1BFF;
	s21 =	sshll.u32 s5, $0x1;
	s2 =	sadd.s32 s19, s18  }
0x9c: {  	s6 =	simm.s32 $0x0;
	s20 =	sshll.u32 s4, $0x1;
	s4 =	sadd.s32 s21, s2  }
0x9d: {  	[timem:s6], [sflag:s22] =	dma.local [hbm:s4], s20  }
0x9e: {  	_ =	swait.ge [sflag:s22], s20  }
0x9f: {  	s3 =	ssub.s32 $0x0, s20;
	[sflag:s22] =	ssyncset.done $0x0  }
0xa0: {  	[sflag:s22] =	ssyncadd.s32 s3;
	_ =	sdelay $0x1  }
0xa1: {  	s23 =	simm.s32 $0x1B8B  }
0xa2: {  	_ =	swait.ge [sflag:s23], $0x1  }
0xa3: {  	[sflag:s23] =	ssyncset.done $0x0  }
0xa4: {  	s25 =	simm.s32 $0x1B8E;
	s24 =	sld [smem:$0x3FFE];
	[sflag:s23] =	ssyncadd.s32 $0xFFFFFFFF  }
0xa5: {  	s26 =	simm.s32 $execute0_lowered;
	[smem:$0x3FD2] =	sst s25  }
0xa6: {  	s4 =	sshll.u32 s26, $0x1;
	_ =	strace $0x80000049;
	[dreg:$0x1] =	wrdreg $0xFFFFFFFF  }
0xa7: {  	s28 =	simm.s32 $_size_execute0_lowered;
	s2 =	sadd.s32 s2, s4;
	[dreg:$0x0] =	wrdreg $0x0  }
0xa8: {  	s4 =	sshll.u32 s28, $0x1;
	[dreg:$0x2] =	wrdreg s2  }
0xa9: {  	[dreg:$0x3] =	wrdreg s4  }
0xaa: {  	[dreg:$0x4] =	wrdreg $0xC0  }
0xab: {  	_ =	task [dreg:s6], $0x5FFFF  }
0xac: {  	[dreg:$0x1] =	wrdreg $0xFFFFFFFF  }
0xad: {  	[dreg:$0x0] =	wrdreg $0x60  }
0xae: {  	[dreg:$0x2] =	wrdreg s24  }
0xaf: {  	[dreg:$0x3] =	wrdreg $0x90000  }
0xb0: {  	[dreg:$0x4] =	wrdreg $0x9  }
0xb1: {  	_ =	task.clear_ibuf [dreg:s6], $0x5FFFF;
	_ =	strace $0x90000049  }
0xb2: {  	s29 =	simm.s32 $0x9;
	_ =	strace $0x8000004B  }
0xb3: {  	_ =	swait.ge [sflag:s29], $0x1  }
0xb4: {  	[sflag:s29] =	ssyncadd.s32 $0xFFFFFFFF  }
0xb5: {  	_ =	strace $0x9000004B  }
0xb6: {  	_ =	sfence  }
0xb7: {  	s30 =	sld [smem:$0x0];
	_ =	sdelay $0x2  }
0xb8: {  	s31 =	sshll.u32 s1, $0xD;
	s1 =	sshrl.u32 s1, $0x2  }
0xb9: {  	s3 =	sand.u32 $0x4000, s31;
	s1 =	sadd.s32 s1, s30  }
0xba: {  	s0 =	sor.u32 s3, s0;
	s1 =	sshll.u32 s1, $0x11  }
0xbb: {  	s0 =	sor.u32 s1, s0  }
0xbc: {  	s0 =	sadd.s32 $0x8F2B, s0  }
0xbd: {  	[sflag:s0] =	ssyncadd.remote.s32 $0x1  }
0xbe: {  	_ =	sfence.sel $0xFFFF  }
0xbf: {  	[dreg:$0x0] =	wrdreg $0xFFFFFFFF;
	(pc) =	sbr.abs _section_cstart, $3  }
0xc0: {  	[dreg:$0x1] =	wrdreg $0xFFFFFFFF  }
0xc1: {  	_ =	task.clear_ibuf [dreg:s6], $0x2FFFF;
	_ =	strace $0x9FFFFFFF  }
0xc2: {  	(tm) =	ssettm $0x7FFFFFFF  }
0xc3: {  	_ =	shalt  }
tec
execute0_lowered:
.L_overlay_start_1:
0x0: {  	(tag) =	ssettag $0x1  }
0x1: {  	s5 =	rddreg [dreg:$0x0]  }
0x2: {  	s1 =	rddreg [dreg:$0x1];
	s2 =	srdreg.scid  }
0x3: {  	s0 =	rddreg [dreg:$0x2];
	s3 =	simm.s32 $0x0;
	s21 =	simm.s32 $0x80  }
0x4: {  	s22 =	simm.s32 $0x0;
	s8 =	sand.u32 $0x1, s2;
	s2 =	stileid.u32  }
0x5: {  	[smem:$0x7FF] =	sst s3;
	s16 =	sadd.s32 $0x3EA00, s5;
	s9 =	smul.u32 $0x50000, s2  }
0x6: {  	s4 =	sshll.u32 s8, $0x4;
	_ =	strace $0x8000004A;
	s11 =	smul.u32 $0x14000, s2  }
0x7: {  	s7 =	ssub.s32 $0x2, s8;
	s15 =	smul.u32 $0x140000, s8;
	s4 =	sor.u32 s2, s4  }
0x8: {  	s30 =	sshrl.u32 s7, $0x1;
	s6 =	smul.u32 $0x500, s4;
	s4 =	sadd.s32 $0x16A00, s5  }
0x9: {  	s17 =	ssub.s32 s7, s30;
	s31 =	sshrl.u32 s9, $0x2;
	s12 =	sadd.s32 $0x4000, s11  }
0xa: {  	s14 =	sadd.s32 $0x8000, s11;
	s18 =	sadd.s32 $0xC000, s11;
	s13 =	sadd.s32 s11, s15  }
0xb: {  	s19 =	sadd.s32 $0x10000, s11;
	s7 =	sadd.s32 s31, s1;
	s8 =	sadd.s32 s12, s1  }
0xc: {  	s9 =	sadd.s32 s14, s1;
	s10 =	sadd.s32 s18, s1;
	s12 =	sadd.s32 s15, s12  }
0xd: {  	s13 =	sshrl.u32 s13, $0x3;
	s11 =	sadd.s32 s19, s1;
	s14 =	sadd.s32 s15, s14  }
0xe: {  	s18 =	sadd.s32 s15, s18;
	s15 =	sadd.s32 s15, s19;
	s17 =	smax.u32 s17, $0x1  }
0xf: {  	s6 =	sadd.s32 s6, s5;
	s20 =	sshrl.u32 s12, $0x3;
	s12 =	sadd.s32 s16, s13  }
0x10: {  	s14 =	sshrl.u32 s14, $0x3;
	s18 =	sshrl.u32 s18, $0x3;
	s19 =	sshrl.u32 s15, $0x3  }
0x11: {  	s5 =	sadd.s32 $0xCA00, s6;
	s6 =	sadd.s32 $0x2000, s6;
	s13 =	sadd.s32 s16, s20  }
0x12: {  	s14 =	sadd.s32 s16, s14;
	s15 =	sadd.s32 s16, s18;
	s16 =	sadd.s32 s16, s19  }
0x13: {  	v0 =	vimm.f32 $0.0e+00;
	s18 =	simm.s32 $0x1;
	s19 =	simm.s32 $0x2800;
	s20 =	simm.s32 $0x5000  }
.LBB2_1:
0x14: {  	[tilespmem:s3], [sflag:$0x1] =	stream.linear.gather [hbm4b:s5+s3], $0x2780, $0x38;
	[tilespmem:$0x1D000] =	vst v63  }
0x15: {  	_ =	swait.ge [sflag:s18], $0x2780  }
0x16: {  	[sflag:s18] =	ssyncset.done $0x0  }
0x17: {  	[sflag:s18] =	ssyncadd.s32 $0xFFFFD880  }
0x18: {  	[tilespmem:s19], [sflag:$0x1] =	stream.linear.gather [hbm4b:s6+s3], $0x2780, $0x38;
	[tilespmem:$0x1D000] =	vst v63  }
0x19: {  	_ =	swait.ge [sflag:s18], $0x2780  }
0x1a: {  	[sflag:s18] =	ssyncset.done $0x0  }
0x1b: {  	s23 =	simm.s32 $0x0;
	s24 =	simm.s32 $0x200;
	[sflag:s18] =	ssyncadd.s32 $0xFFFFD880  }
.LBB2_2:
0x1c: {  	p0 =	sne.s32 s24, $0xFE00;
	[tilespmem:s23+$0x5070] =	vst v0  }
0x1d: {  	[tilespmem:s23+$0x5000] =	vst v0  }
0x1e: {  	[tilespmem:s23+$0x5010] =	vst v0  }
.Ltmp0:
0x1f: {  	[tilespmem:s23+$0x5020] =	vst v0;
	(pc) =	sbr.rel @p0 .LBB2_2-.Ltmp0, $4  }
0x20: {  	[tilespmem:s23+$0x5030] =	vst v0  }
0x21: {  	[tilespmem:s23+$0x5040] =	vst v0  }
0x22: {  	[tilespmem:s23+$0x5050] =	vst v0  }
0x23: {  	[tilespmem:s23+$0x5060] =	vst v0;
	s23 =	sshra.s32 s24, $0x2;
	s24 =	sadd.s32 $0x200, s24  }
0x24: {  	[tilespmem:s23+$0x5070] =	vst v0  }
0x25: {  	[tilespmem:s23+$0x5000] =	vst v0  }
0x26: {  	[tilespmem:s23+$0x5010] =	vst v0  }
0x27: {  	[tilespmem:s23+$0x5020] =	vst v0  }
0x28: {  	[tilespmem:s23+$0x5030] =	vst v0  }
0x29: {  	[tilespmem:s23+$0x5040] =	vst v0  }
0x2a: {  	[tilespmem:s23+$0x5050] =	vst v0  }
0x2b: {  	[tilespmem:s23+$0x5060] =	vst v0  }
0x2c: {  	[spmem:s7] =	stream.linear.scatter [tilespmem:s20], [sflag:$0x1], $0x4000, $0x38;
	[tilespmem:$0x1D000] =	vst v63  }
0x2d: {  	_ =	swait.ge [sflag:s18], $0x4000  }
0x2e: {  	[sflag:s18] =	ssyncset.done $0x0  }
0x2f: {  	[sflag:s18] =	ssyncadd.s32 $0xFFFFC000  }
0x30: {  	[spmem:s8] =	stream.linear.scatter [tilespmem:s20], [sflag:$0x1], $0x4000, $0x38;
	[tilespmem:$0x1D000] =	vst v63  }
0x31: {  	_ =	swait.ge [sflag:s18], $0x4000  }
0x32: {  	[sflag:s18] =	ssyncset.done $0x0  }
0x33: {  	[sflag:s18] =	ssyncadd.s32 $0xFFFFC000  }
0x34: {  	[spmem:s9] =	stream.linear.scatter [tilespmem:s20], [sflag:$0x1], $0x4000, $0x38;
	[tilespmem:$0x1D000] =	vst v63  }
0x35: {  	_ =	swait.ge [sflag:s18], $0x4000  }
0x36: {  	[sflag:s18] =	ssyncset.done $0x0  }
0x37: {  	[sflag:s18] =	ssyncadd.s32 $0xFFFFC000  }
0x38: {  	[spmem:s10] =	stream.linear.scatter [tilespmem:s20], [sflag:$0x1], $0x4000, $0x38;
	[tilespmem:$0x1D000] =	vst v63  }
0x39: {  	_ =	swait.ge [sflag:s18], $0x4000  }
0x3a: {  	[sflag:s18] =	ssyncset.done $0x0  }
0x3b: {  	[sflag:s18] =	ssyncadd.s32 $0xFFFFC000  }
0x3c: {  	[spmem:s11] =	stream.linear.scatter [tilespmem:s20], [sflag:$0x1], $0x4000, $0x38;
	[tilespmem:$0x1D000] =	vst v63  }
0x3d: {  	_ =	swait.ge [sflag:s18], $0x4000  }
0x3e: {  	[sflag:s18] =	ssyncset.done $0x0  }
0x3f: {  	[sflag:s18] =	ssyncadd.s32 $0xFFFFC000  }
0x40: {  	s30 =	simm.s32 $0x0;
	[bflag:$0x0] =	sbarrier.arrive $0xFFFF  }
0x41: {  	[tilespmem:s20], [sflag:$0x1] =	stream.indirect.gather [hbm4b:s4+s21], $0x80, s30, s21, $0xb8;
	[tilespmem:$0x1D000] =	vst v63  }
0x42: {  	_ =	swait.ge [sflag:s18], $0x4000  }
0x43: {  	[sflag:s18] =	ssyncset.done $0x0  }
0x44: {  	s31 =	simm.s32 $0x2800;
	[sflag:s18] =	ssyncadd.s32 $0xFFFFC000  }
0x45: {  	[spmem:s1] =	stream.indirect.scatter.add.f32 [tilespmem:s20], [sflag:$0x1], $0x80, s31, s21, $0xb8;
	[tilespmem:$0x1D000] =	vst v63  }
0x46: {  	_ =	swait.ge [sflag:s18], $0x4000  }
0x47: {  	s23 =	simm.s32 $0x200;
	s24 =	simm.s32 $0x400;
	[sflag:s18] =	ssyncset.done $0x0  }
.LBB2_4:
0x48: {  	s25 =	sshra.s32 s23, $0x2  }
0x49: {  	[sflag:s18] =	ssyncadd.s32 $0xFFFFC000;
	s23 =	smov.u32 s24;
	s26 =	sadd.s32 $0x200, s24  }
0x4a: {  	[tilespmem:s20], [sflag:$0x1] =	stream.indirect.gather [hbm4b:s4+s21], $0x80, s25, s21, $0xb8;
	[tilespmem:$0x1D000] =	vst v63  }
0x4b: {  	p0 =	sne.s32 s24, $0x9C00;
	_ =	swait.ge [sflag:s18], $0x4000  }
.Ltmp1:
0x4c: {  	[sflag:s18] =	ssyncset.done $0x0;
	(pc) =	sbr.rel @p0 .LBB2_4-.Ltmp1, $4  }
0x4d: {  	s24 =	sadd.s32 $0x2800, s25;
	[sflag:s18] =	ssyncadd.s32 $0xFFFFC000  }
0x4e: {  	[spmem:s1] =	stream.indirect.scatter.add.f32 [tilespmem:s20], [sflag:$0x1], $0x80, s24, s21, $0xb8;
	[tilespmem:$0x1D000] =	vst v63  }
0x4f: {  	_ =	swait.ge [sflag:s18], $0x4000  }
0x50: {  	s24 =	smov.u32 s26;
	[sflag:s18] =	ssyncset.done $0x0  }
0x51: {  	s23 =	sshra.s32 s23, $0x2;
	[sflag:s18] =	ssyncadd.s32 $0xFFFFC000  }
0x52: {  	[tilespmem:s20], [sflag:$0x1] =	stream.indirect.gather [hbm4b:s4+s21], $0x80, s23, s21, $0xb8;
	[tilespmem:$0x1D000] =	vst v63  }
0x53: {  	_ =	swait.ge [sflag:s18], $0x4000  }
0x54: {  	[sflag:s18] =	ssyncset.done $0x0  }
0x55: {  	s23 =	sadd.s32 $0x2800, s23;
	[sflag:s18] =	ssyncadd.s32 $0xFFFFC000  }
0x56: {  	[spmem:s1] =	stream.indirect.scatter.add.f32 [tilespmem:s20], [sflag:$0x1], $0x80, s23, s21, $0xb8;
	[tilespmem:$0x1D000] =	vst v63  }
0x57: {  	_ =	swait.ge [sflag:s18], $0x4000  }
0x58: {  	[sflag:s18] =	ssyncset.done $0x0  }
0x59: {  	s26 =	sshll.u32 s2, $0x6;
	[sflag:s18] =	ssyncadd.s32 $0xFFFFC000  }
0x5a: {  	s24 =	sshrl.u32 s7, $0x3;
	s23 =	sor.u32 $0x1C01, s26;
	[bflag:$0x0] =	sbarrier.arrive $0xFFFF  }
0x5b: {  	[hbm:s12], [sflag:s23] =	dma.local [spmem:s24], $0x800  }
0x5c: {  	_ =	swait.ge [sflag:s18], $0x800  }
0x5d: {  	[sflag:s18] =	ssyncset.done $0x0  }
0x5e: {  	s28 =	sshrl.u32 s8, $0x3;
	[sflag:s18] =	ssyncadd.s32 $0xFFFFF800  }
0x5f: {  	[hbm:s13], [sflag:s23] =	dma.local [spmem:s28], $0x800  }
0x60: {  	_ =	swait.ge [sflag:s18], $0x800  }
0x61: {  	[sflag:s18] =	ssyncset.done $0x0  }
0x62: {  	s29 =	sshrl.u32 s9, $0x3;
	[sflag:s18] =	ssyncadd.s32 $0xFFFFF800  }
0x63: {  	[hbm:s14], [sflag:s23] =	dma.local [spmem:s29], $0x800  }
0x64: {  	_ =	swait.ge [sflag:s18], $0x800  }
0x65: {  	[sflag:s18] =	ssyncset.done $0x0  }
0x66: {  	s30 =	sshrl.u32 s10, $0x3;
	[sflag:s18] =	ssyncadd.s32 $0xFFFFF800  }
0x67: {  	[hbm:s15], [sflag:s23] =	dma.local [spmem:s30], $0x800  }
0x68: {  	s22 =	sadd.s32 $0x1, s22;
	_ =	swait.ge [sflag:s18], $0x800  }
0x69: {  	p0 =	sne.s32 s22, s17;
	[sflag:s18] =	ssyncset.done $0x0  }
.Ltmp2:
0x6a: {  	s31 =	sshrl.u32 s11, $0x3;
	[sflag:s18] =	ssyncadd.s32 $0xFFFFF800;
	(pc) =	sbr.rel @p0 .LBB2_1-.Ltmp2, $4  }
0x6b: {  	[hbm:s16], [sflag:s23] =	dma.local [spmem:s31], $0x800  }
0x6c: {  	_ =	swait.ge [sflag:s18], $0x800  }
0x6d: {  	[sflag:s18] =	ssyncset.done $0x0  }
0x6e: {  	[sflag:s18] =	ssyncadd.s32 $0xFFFFF800  }
0x6f: {  	_ =	sfence.sel $0x180000  }
0x70: {  	[bflag:$0x0] =	sbarrier.arrive $0xFFFF  }
0x71: {  	p0 =	sne.s32 s2, $0x0;
	_ =	strace $0x9000004A  }
0x72: {  	s0 =	sadd.s32 @!p0 $0x100000, s0;
	[bflag:$0x2] =	sbarrier.arrive $0xFFFF  }
0x73: {  	[sflag:s0] =	ssyncadd.tile.s32 @!p0 $0x1;
	_ =	shalt  }
.Lfunc_end2:
_tile_overlayer_lowered:
.L_overlay_start_2:
0x74: {  	(tag) =	ssettag $0x2  }
0x75: {  	s0 =	rddreg [dreg:$0x0];
	s2 =	stileid.u32  }
0x76: {  	s1 =	rddreg [dreg:$0x1];
	p0 =	sne.s32 s2, $0x0  }
0x77: {  	s3 =	rddreg [dreg:$0x2];
	[bflag:$0x3] =	sbarrier.arrive $0xFFFF;
	s2 =	simm.s32 @!p0 $0x1C01  }
0x78: {  	[timem:s3], [sflag:s2] =	dma.local @!p0 [hbm:s0], s1  }
0x79: {  	s0 =	simm.s32 @!p0 $0x1  }
0x7a: {  	_ =	swait.ge @!p0 [sflag:s0], s1  }
0x7b: {  	s1 =	ssub.s32 @!p0 $0x0, s1;
	[sflag:s0] =	ssyncset.done @!p0 $0x0  }
0x7c: {  	[sflag:s0] =	ssyncadd.s32 @!p0 s1  }
0x7d: {  	[bflag:$0x3] =	sbarrier.arrive $0xFFFF  }
0x7e: {  	_ =	shalt  }

// kernel: kernel.14.cloned.1.call-start
scs
__scs_entry_jumppad:
0x0: {  	(pc) =	sbr.rel $0x88, $3  }
0x1: {  	(tag) =	ssettag $0x0;
	lr =	simm.s32 $0x1  }
0x2: {  	[smem:$0x3F9B] =	sst lr;
	_ =	strace $0xD0000000  }
0x3: {  	_ = 	snop  }
0x4: {  	_ = 	snop  }
0x5: {  	_ = 	snop  }
0x6: {  	_ = 	snop  }
0x7: {  	_ = 	snop  }
__scs_overlays_trampoline_lowered:
0x8: {  	[smem:$0x3FAA] =	sst s0  }
0x9: {  	[smem:$0x3FAB] =	sst s1  }
0xa: {  	[smem:$0x3FAC] =	sst s2  }
0xb: {  	[smem:$0x3FAD] =	sst s3  }
0xc: {  	[smem:$0x3FAE] =	sst s4  }
0xd: {  	[smem:$0x3FAF] =	sst s5  }
0xe: {  	[smem:$0x3FB0] =	sst s6  }
0xf: {  	[smem:$0x3FB1] =	sst s7  }
0x10: {  	[smem:$0x3FB2] =	sst s8  }
0x11: {  	[smem:$0x3FB3] =	sst s9;
	s0 =	simm.s32 @!p0 $0x0  }
0x12: {  	s1 =	sld [smem:$0x3F99];
	s0 =	simm.s32 @p0 $0x1  }
0x13: {  	[smem:$0x3FB4] =	sst s0;
	s0 =	simm.s32 @!p1 $0x0  }
0x14: {  	s2 =	sld [smem:$0x3F98];
	s0 =	simm.s32 @p1 $0x1  }
0x15: {  	[smem:$0x3FB5] =	sst s0;
	s0 =	simm.s32 @!p2 $0x0  }
0x16: {  	s3 =	sld [smem:$0x3FDB];
	s0 =	simm.s32 @p2 $0x1  }
0x17: {  	s4 =	simm.s32 $0x1BF5;
	[smem:$0x3FB7] =	sst s0  }
0x18: {  	s0 =	sld [smem:$0x3F9A];
	_ =	swait.ge [sflag:s4], $0x0  }
0x19: {  	s7 =	sld [smem:$0x3F9B]  }
0x1a: {  	s8 =	sadd.s32 $0xFFFFE003, lr  }
0x1b: {  	s9 =	sadd.s32 $0xFFFFFEF7, lr;
	s5 =	simm.s32 $0xFFFFFFFF;
	p2 =	slt.u32 s8, $0xFFFFF086  }
0x1c: {  	p1 =	slt.u32 s9, $0xF7A;
	s5 =	simm.s32 @!p2 $0x0  }
0x1d: {  	s5 =	simm.s32 @p1 $0x1;
	p0 =	seq.s32 s7, s2  }
0x1e: {  	s7 =	smul.u32 @!p0 $0xF7A, s2;
	p2 =	seq.s32 @!p0 s5, $0x0  }
0x1f: {  	s9 =	smul.u32 $0xF7A, s1;
	s8 =	simm.s32 @!p0 $0x1BF5;
	p2 =	por !p2, p0  }
0x20: {  	[sflag:s8] =	ssyncset.s32 @!p0 $0xFFFFF086;
	s6 =	sadd.s32 @!p0 s3, s7;
	s7 =	simm.s32 @!p0 $0x108  }
0x21: {  	s3 =	sadd.s32 s3, s9;
	s6 =	sadd.s32 @!p0 $0x88, s6;
	s7 =	simm.s32 @p2 $0x1082  }
0x22: {  	[simem:s7], [sflag:s8] =	dma.local @!p0 [hbm:s6], $0xF7A  }
0x23: {  	s9 =	sor.u32 $0xD0000000, s2;
	s6 =	simm.s32 $0x108;
	_ =	swait.ge @!p0 [sflag:s8], $0x0  }
0x24: {  	s3 =	sadd.s32 $0x88, s3;
	s6 =	simm.s32 @!p1 $0x1082;
	[sflag:s4] =	ssyncset.s32 $0xFFFFF086  }
0x25: {  	[simem:s6], [sflag:s4] =	dma.local [hbm:s3], $0xF7A  }
0x26: {  	[smem:$0x3F9B] =	sst s1;
	(tag) =	ssettag s2;
	_ =	strace s9  }
0x27: {  	s1 =	sld [smem:$0x3FAB]  }
0x28: {  	s2 =	sld [smem:$0x3FAC]  }
0x29: {  	s4 =	sld [smem:$0x3FAE]  }
0x2a: {  	p0 =	seq.s32 s5, $0x0;
	s5 =	sld [smem:$0x3FAF]  }
0x2b: {  	s6 =	sld [smem:$0x3FB0]  }
0x2c: {  	s7 =	sld [smem:$0x3FB1]  }
0x2d: {  	s3 =	simm.s32 $0x108;
	s8 =	sld [smem:$0x3FB2]  }
0x2e: {  	s3 =	simm.s32 @!p0 $0x1082;
	s9 =	sld [smem:$0x3FB3]  }
0x2f: {  	lr =	sadd.s32 s0, s3;
	s0 =	sld [smem:$0x3FAA]  }
0x30: {  	s3 =	sld [smem:$0x3FAD]  }
0x31: {  	[smem:$0x3FB6] =	sst s10  }
0x32: {  	s10 =	sld [smem:$0x3FB4];
	_ =	sdelay $0x3  }
0x33: {  	p0 =	seq.s32 s10, $0x1;
	s10 =	sld [smem:$0x3FB6];
	_ =	sdelay $0x3  }
0x34: {  	[smem:$0x3FB6] =	sst s10  }
0x35: {  	s10 =	sld [smem:$0x3FB5];
	_ =	sdelay $0x3  }
0x36: {  	p1 =	seq.s32 s10, $0x1;
	s10 =	sld [smem:$0x3FB6];
	_ =	sdelay $0x3  }
0x37: {  	[smem:$0x3FB6] =	sst s10  }
0x38: {  	s10 =	sld [smem:$0x3FB7]  }
0x39: {  	_ = 	snop;
	(pc) =	sbr.ind lr, $3  }
0x3a: {  	_ = 	snop  }
0x3b: {  	_ = 	snop  }
0x3c: {  	p2 =	seq.s32 s10, $0x1;
	s10 =	sld [smem:$0x3FB6]  }
0x3d: {  	_ =	shalt  }
0x3e: {  	_ =	shalt  }
0x3f: {  	_ =	shalt  }
0x40: {  	_ =	shalt  }
0x41: {  	_ =	shalt  }
0x42: {  	_ =	shalt  }
0x43: {  	_ =	shalt  }
0x44: {  	_ =	shalt  }
0x45: {  	_ =	shalt  }
0x46: {  	_ =	shalt  }
0x47: {  	_ =	shalt  }
0x48: {  	_ =	shalt  }
0x49: {  	_ =	shalt  }
0x4a: {  	_ =	shalt  }
0x4b: {  	_ =	shalt  }
0x4c: {  	_ =	shalt  }
0x4d: {  	_ =	shalt  }
0x4e: {  	_ =	shalt  }
0x4f: {  	_ =	shalt  }
0x50: {  	_ =	shalt  }
0x51: {  	_ =	shalt  }
0x52: {  	_ =	shalt  }
0x53: {  	_ =	shalt  }
0x54: {  	_ =	shalt  }
0x55: {  	_ =	shalt  }
0x56: {  	_ =	shalt  }
0x57: {  	_ =	shalt  }
0x58: {  	_ =	shalt  }
0x59: {  	_ =	shalt  }
0x5a: {  	_ =	shalt  }
0x5b: {  	_ =	shalt  }
0x5c: {  	_ =	shalt  }
0x5d: {  	_ =	shalt  }
0x5e: {  	_ =	shalt  }
0x5f: {  	_ =	shalt  }
0x60: {  	_ =	shalt  }
0x61: {  	_ =	shalt  }
0x62: {  	_ =	shalt  }
0x63: {  	_ =	shalt  }
0x64: {  	_ =	shalt  }
0x65: {  	_ =	shalt  }
0x66: {  	_ =	shalt  }
0x67: {  	_ =	shalt  }
0x68: {  	_ =	shalt  }
0x69: {  	_ =	shalt  }
0x6a: {  	_ =	shalt  }
0x6b: {  	_ =	shalt  }
0x6c: {  	_ =	shalt  }
0x6d: {  	_ =	shalt  }
0x6e: {  	_ =	shalt  }
0x6f: {  	_ =	shalt  }
0x70: {  	_ =	shalt  }
0x71: {  	_ =	shalt  }
0x72: {  	_ =	shalt  }
0x73: {  	_ =	shalt  }
0x74: {  	_ =	shalt  }
0x75: {  	_ =	shalt  }
0x76: {  	_ =	shalt  }
0x77: {  	_ =	shalt  }
0x78: {  	_ =	shalt  }
0x79: {  	_ =	shalt  }
0x7a: {  	_ =	shalt  }
0x7b: {  	_ =	shalt  }
0x7c: {  	_ =	shalt  }
0x7d: {  	_ =	shalt  }
0x7e: {  	_ =	shalt  }
0x7f: {  	_ =	shalt  }
0x80: {  	_ =	shalt  }
0x81: {  	_ =	shalt  }
0x82: {  	_ =	shalt  }
0x83: {  	_ =	shalt  }
0x84: {  	_ =	shalt  }
0x85: {  	_ =	shalt  }
0x86: {  	_ =	shalt  }
0x87: {  	_ =	shalt  }
.Lfunc_end0:
.L_simem_size_0:
called_computation.2_lowered:
.L_overlay_start_0:
0x88: {  	s2 =	sld [smem:$0x3FD9]  }
0x89: {  	s3 =	sld [smem:$0x3FFE];
	_ =	sdelay $0x1  }
0x8a: {  	s1 =	srdreg.scid  }
0x8b: {  	s0 =	sand.u32 $0x1, s1  }
0x8c: {  	s16 =	sshll.u32 s0, $0xA;
	s2 =	sadd.s32 s3, s2  }
0x8d: {  	s2 =	sadd.s32 s2, s16  }
0x8e: {  	[smem:$0x3FC2] =	sst s2  }
0x8f: {  	_ = 	snop  }
0x90: {  	(tm) =	ssettm $0x1  }
0x91: {  	s17 =	sld [smem:$0x3FFB];
	_ =	sdelay $0x3  }
0x92: {  	_ =	strace s17  }
0x93: {  	s2 =	sld [smem:$0x3FFC];
	_ =	sdelay $0x3  }
0x94: {  	_ =	strace s2  }
0x95: {  	s2 =	sld [smem:$0x3FFD];
	_ =	sdelay $0x3  }
0x96: {  	_ =	strace s2  }
0x97: {  	_ =	strace $0x8FFFFFFF  }
0x98: {  	s18 =	sld [smem:$0x3FDB];
	_ =	sdelay $0x1  }
0x99: {  	s19 =	simm.s32 $_scs_section_size  }
0x9a: {  	s4 =	simm.s32 $_size__tile_overlayer_lowered;
	s5 =	simm.s32 $_tile_overlayer_lowered  }
0x9b: {  	s22 =	simm.s32 $0x1BFF;
	s21 =	sshll.u32 s5, $0x1;
	s2 =	sadd.s32 s19, s18  }
0x9c: {  	s6 =	simm.s32 $0x0;
	s20 =	sshll.u32 s4, $0x1;
	s4 =	sadd.s32 s21, s2  }
0x9d: {  	[timem:s6], [sflag:s22] =	dma.local [hbm:s4], s20  }
0x9e: {  	_ =	swait.ge [sflag:s22], s20  }
0x9f: {  	s3 =	ssub.s32 $0x0, s20;
	[sflag:s22] =	ssyncset.done $0x0  }
0xa0: {  	[sflag:s22] =	ssyncadd.s32 s3;
	_ =	sdelay $0x1  }
0xa1: {  	s23 =	simm.s32 $0x1B8B  }
0xa2: {  	_ =	swait.ge [sflag:s23], $0x1  }
0xa3: {  	[sflag:s23] =	ssyncset.done $0x0  }
0xa4: {  	s25 =	simm.s32 $0x1B8E;
	s24 =	sld [smem:$0x3FFE];
	[sflag:s23] =	ssyncadd.s32 $0xFFFFFFFF  }
0xa5: {  	s26 =	simm.s32 $execute0_lowered;
	[smem:$0x3FD2] =	sst s25  }
0xa6: {  	s4 =	sshll.u32 s26, $0x1;
	_ =	strace $0x8000004C;
	[dreg:$0x1] =	wrdreg $0xFFFFFFFF  }
0xa7: {  	s28 =	simm.s32 $_size_execute0_lowered;
	s2 =	sadd.s32 s2, s4;
	[dreg:$0x0] =	wrdreg $0x0  }
0xa8: {  	s4 =	sshll.u32 s28, $0x1;
	[dreg:$0x2] =	wrdreg s2  }
0xa9: {  	[dreg:$0x3] =	wrdreg s4  }
0xaa: {  	[dreg:$0x4] =	wrdreg $0xC0  }
0xab: {  	_ =	task [dreg:s6], $0x5FFFF  }
0xac: {  	[dreg:$0x1] =	wrdreg $0xFFFFFFFF  }
0xad: {  	[dreg:$0x0] =	wrdreg $0x60  }
0xae: {  	[dreg:$0x2] =	wrdreg s24  }
0xaf: {  	[dreg:$0x3] =	wrdreg $0x90000  }
0xb0: {  	[dreg:$0x4] =	wrdreg $0x9  }
0xb1: {  	_ =	task.clear_ibuf [dreg:s6], $0x5FFFF;
	_ =	strace $0x9000004C  }
0xb2: {  	s29 =	simm.s32 $0x9;
	_ =	strace $0x8000004E  }
0xb3: {  	_ =	swait.ge [sflag:s29], $0x1  }
0xb4: {  	[sflag:s29] =	ssyncadd.s32 $0xFFFFFFFF  }
0xb5: {  	_ =	strace $0x9000004E  }
0xb6: {  	_ =	sfence  }
0xb7: {  	s30 =	sld [smem:$0x0];
	_ =	sdelay $0x2  }
0xb8: {  	s31 =	sshll.u32 s1, $0xD;
	s1 =	sshrl.u32 s1, $0x2  }
0xb9: {  	s3 =	sand.u32 $0x4000, s31;
	s1 =	sadd.s32 s1, s30  }
0xba: {  	s0 =	sor.u32 s3, s0;
	s1 =	sshll.u32 s1, $0x11  }
0xbb: {  	s0 =	sor.u32 s1, s0  }
0xbc: {  	s0 =	sadd.s32 $0x8F2B, s0  }
0xbd: {  	[sflag:s0] =	ssyncadd.remote.s32 $0x1  }
0xbe: {  	_ =	sfence.sel $0xFFFF  }
0xbf: {  	[dreg:$0x0] =	wrdreg $0xFFFFFFFF;
	(pc) =	sbr.abs _section_cstart, $3  }
0xc0: {  	[dreg:$0x1] =	wrdreg $0xFFFFFFFF  }
0xc1: {  	_ =	task.clear_ibuf [dreg:s6], $0x2FFFF;
	_ =	strace $0x9FFFFFFF  }
0xc2: {  	(tm) =	ssettm $0x7FFFFFFF  }
0xc3: {  	_ =	shalt  }
tec
execute0_lowered:
.L_overlay_start_1:
0x0: {  	(tag) =	ssettag $0x1  }
0x1: {  	s5 =	rddreg [dreg:$0x0]  }
0x2: {  	s1 =	rddreg [dreg:$0x1];
	s2 =	srdreg.scid  }
0x3: {  	s0 =	rddreg [dreg:$0x2];
	s3 =	simm.s32 $0x0;
	s21 =	simm.s32 $0x80  }
0x4: {  	s22 =	simm.s32 $0x0;
	s8 =	sand.u32 $0x1, s2;
	s2 =	stileid.u32  }
0x5: {  	[smem:$0x7FF] =	sst s3;
	s16 =	sadd.s32 $0x3EA00, s5;
	s9 =	smul.u32 $0x50000, s2  }
0x6: {  	s4 =	sshll.u32 s8, $0x4;
	_ =	strace $0x8000004D;
	s11 =	smul.u32 $0x14000, s2  }
0x7: {  	s7 =	ssub.s32 $0x2, s8;
	s15 =	smul.u32 $0x140000, s8;
	s4 =	sor.u32 s2, s4  }
0x8: {  	s30 =	sshrl.u32 s7, $0x1;
	s6 =	smul.u32 $0x500, s4;
	s4 =	sadd.s32 $0x16A00, s5  }
0x9: {  	s17 =	ssub.s32 s7, s30;
	s31 =	sshrl.u32 s9, $0x2;
	s12 =	sadd.s32 $0x4000, s11  }
0xa: {  	s14 =	sadd.s32 $0x8000, s11;
	s18 =	sadd.s32 $0xC000, s11;
	s13 =	sadd.s32 s11, s15  }
0xb: {  	s19 =	sadd.s32 $0x10000, s11;
	s7 =	sadd.s32 s31, s1;
	s8 =	sadd.s32 s12, s1  }
0xc: {  	s9 =	sadd.s32 s14, s1;
	s10 =	sadd.s32 s18, s1;
	s12 =	sadd.s32 s15, s12  }
0xd: {  	s13 =	sshrl.u32 s13, $0x3;
	s11 =	sadd.s32 s19, s1;
	s14 =	sadd.s32 s15, s14  }
0xe: {  	s18 =	sadd.s32 s15, s18;
	s15 =	sadd.s32 s15, s19;
	s17 =	smax.u32 s17, $0x1  }
0xf: {  	s6 =	sadd.s32 s6, s5;
	s20 =	sshrl.u32 s12, $0x3;
	s12 =	sadd.s32 s16, s13  }
0x10: {  	s14 =	sshrl.u32 s14, $0x3;
	s18 =	sshrl.u32 s18, $0x3;
	s19 =	sshrl.u32 s15, $0x3  }
0x11: {  	s5 =	sadd.s32 $0xCA00, s6;
	s6 =	sadd.s32 $0x2000, s6;
	s13 =	sadd.s32 s16, s20  }
0x12: {  	s14 =	sadd.s32 s16, s14;
	s15 =	sadd.s32 s16, s18;
	s16 =	sadd.s32 s16, s19  }
0x13: {  	v0 =	vimm.f32 $0.0e+00;
	s18 =	simm.s32 $0x1;
	s19 =	simm.s32 $0x2800;
	s20 =	simm.s32 $0x5000  }
.LBB2_1:
0x14: {  	[tilespmem:s3], [sflag:$0x1] =	stream.linear.gather [hbm4b:s5+s3], $0x2780, $0x38;
	[tilespmem:$0x1D000] =	vst v63  }
0x15: {  	_ =	swait.ge [sflag:s18], $0x2780  }
0x16: {  	[sflag:s18] =	ssyncset.done $0x0  }
0x17: {  	[sflag:s18] =	ssyncadd.s32 $0xFFFFD880  }
0x18: {  	[tilespmem:s19], [sflag:$0x1] =	stream.linear.gather [hbm4b:s6+s3], $0x2780, $0x38;
	[tilespmem:$0x1D000] =	vst v63  }
0x19: {  	_ =	swait.ge [sflag:s18], $0x2780  }
0x1a: {  	[sflag:s18] =	ssyncset.done $0x0  }
0x1b: {  	s23 =	simm.s32 $0x0;
	s24 =	simm.s32 $0x200;
	[sflag:s18] =	ssyncadd.s32 $0xFFFFD880  }
.LBB2_2:
0x1c: {  	p0 =	sne.s32 s24, $0xFE00;
	[tilespmem:s23+$0x5070] =	vst v0  }
0x1d: {  	[tilespmem:s23+$0x5000] =	vst v0  }
0x1e: {  	[tilespmem:s23+$0x5010] =	vst v0  }
.Ltmp0:
0x1f: {  	[tilespmem:s23+$0x5020] =	vst v0;
	(pc) =	sbr.rel @p0 .LBB2_2-.Ltmp0, $4  }
0x20: {  	[tilespmem:s23+$0x5030] =	vst v0  }
0x21: {  	[tilespmem:s23+$0x5040] =	vst v0  }
0x22: {  	[tilespmem:s23+$0x5050] =	vst v0  }
0x23: {  	[tilespmem:s23+$0x5060] =	vst v0;
	s23 =	sshra.s32 s24, $0x2;
	s24 =	sadd.s32 $0x200, s24  }
0x24: {  	[tilespmem:s23+$0x5070] =	vst v0  }
0x25: {  	[tilespmem:s23+$0x5000] =	vst v0  }
0x26: {  	[tilespmem:s23+$0x5010] =	vst v0  }
0x27: {  	[tilespmem:s23+$0x5020] =	vst v0  }
0x28: {  	[tilespmem:s23+$0x5030] =	vst v0  }
0x29: {  	[tilespmem:s23+$0x5040] =	vst v0  }
0x2a: {  	[tilespmem:s23+$0x5050] =	vst v0  }
0x2b: {  	[tilespmem:s23+$0x5060] =	vst v0  }
0x2c: {  	[spmem:s7] =	stream.linear.scatter [tilespmem:s20], [sflag:$0x1], $0x4000, $0x38;
	[tilespmem:$0x1D000] =	vst v63  }
0x2d: {  	_ =	swait.ge [sflag:s18], $0x4000  }
0x2e: {  	[sflag:s18] =	ssyncset.done $0x0  }
0x2f: {  	[sflag:s18] =	ssyncadd.s32 $0xFFFFC000  }
0x30: {  	[spmem:s8] =	stream.linear.scatter [tilespmem:s20], [sflag:$0x1], $0x4000, $0x38;
	[tilespmem:$0x1D000] =	vst v63  }
0x31: {  	_ =	swait.ge [sflag:s18], $0x4000  }
0x32: {  	[sflag:s18] =	ssyncset.done $0x0  }
0x33: {  	[sflag:s18] =	ssyncadd.s32 $0xFFFFC000  }
0x34: {  	[spmem:s9] =	stream.linear.scatter [tilespmem:s20], [sflag:$0x1], $0x4000, $0x38;
	[tilespmem:$0x1D000] =	vst v63  }
0x35: {  	_ =	swait.ge [sflag:s18], $0x4000  }
0x36: {  	[sflag:s18] =	ssyncset.done $0x0  }
0x37: {  	[sflag:s18] =	ssyncadd.s32 $0xFFFFC000  }
0x38: {  	[spmem:s10] =	stream.linear.scatter [tilespmem:s20], [sflag:$0x1], $0x4000, $0x38;
	[tilespmem:$0x1D000] =	vst v63  }
0x39: {  	_ =	swait.ge [sflag:s18], $0x4000  }
0x3a: {  	[sflag:s18] =	ssyncset.done $0x0  }
0x3b: {  	[sflag:s18] =	ssyncadd.s32 $0xFFFFC000  }
0x3c: {  	[spmem:s11] =	stream.linear.scatter [tilespmem:s20], [sflag:$0x1], $0x4000, $0x38;
	[tilespmem:$0x1D000] =	vst v63  }
0x3d: {  	_ =	swait.ge [sflag:s18], $0x4000  }
0x3e: {  	[sflag:s18] =	ssyncset.done $0x0  }
0x3f: {  	[sflag:s18] =	ssyncadd.s32 $0xFFFFC000  }
0x40: {  	s30 =	simm.s32 $0x0;
	[bflag:$0x0] =	sbarrier.arrive $0xFFFF  }
0x41: {  	[tilespmem:s20], [sflag:$0x1] =	stream.indirect.gather [hbm4b:s4+s21], $0x80, s30, s21, $0xb8;
	[tilespmem:$0x1D000] =	vst v63  }
0x42: {  	_ =	swait.ge [sflag:s18], $0x4000  }
0x43: {  	[sflag:s18] =	ssyncset.done $0x0  }
0x44: {  	s31 =	simm.s32 $0x2800;
	[sflag:s18] =	ssyncadd.s32 $0xFFFFC000  }
0x45: {  	[spmem:s1] =	stream.indirect.scatter.add.f32 [tilespmem:s20], [sflag:$0x1], $0x80, s31, s21, $0xb8;
	[tilespmem:$0x1D000] =	vst v63  }
0x46: {  	_ =	swait.ge [sflag:s18], $0x4000  }
0x47: {  	s23 =	simm.s32 $0x200;
	s24 =	simm.s32 $0x400;
	[sflag:s18] =	ssyncset.done $0x0  }
.LBB2_4:
0x48: {  	s25 =	sshra.s32 s23, $0x2  }
0x49: {  	[sflag:s18] =	ssyncadd.s32 $0xFFFFC000;
	s23 =	smov.u32 s24;
	s26 =	sadd.s32 $0x200, s24  }
0x4a: {  	[tilespmem:s20], [sflag:$0x1] =	stream.indirect.gather [hbm4b:s4+s21], $0x80, s25, s21, $0xb8;
	[tilespmem:$0x1D000] =	vst v63  }
0x4b: {  	p0 =	sne.s32 s24, $0x9C00;
	_ =	swait.ge [sflag:s18], $0x4000  }
.Ltmp1:
0x4c: {  	[sflag:s18] =	ssyncset.done $0x0;
	(pc) =	sbr.rel @p0 .LBB2_4-.Ltmp1, $4  }
0x4d: {  	s24 =	sadd.s32 $0x2800, s25;
	[sflag:s18] =	ssyncadd.s32 $0xFFFFC000  }
0x4e: {  	[spmem:s1] =	stream.indirect.scatter.add.f32 [tilespmem:s20], [sflag:$0x1], $0x80, s24, s21, $0xb8;
	[tilespmem:$0x1D000] =	vst v63  }
0x4f: {  	_ =	swait.ge [sflag:s18], $0x4000  }
0x50: {  	s24 =	smov.u32 s26;
	[sflag:s18] =	ssyncset.done $0x0  }
0x51: {  	s23 =	sshra.s32 s23, $0x2;
	[sflag:s18] =	ssyncadd.s32 $0xFFFFC000  }
0x52: {  	[tilespmem:s20], [sflag:$0x1] =	stream.indirect.gather [hbm4b:s4+s21], $0x80, s23, s21, $0xb8;
	[tilespmem:$0x1D000] =	vst v63  }
0x53: {  	_ =	swait.ge [sflag:s18], $0x4000  }
0x54: {  	[sflag:s18] =	ssyncset.done $0x0  }
0x55: {  	s23 =	sadd.s32 $0x2800, s23;
	[sflag:s18] =	ssyncadd.s32 $0xFFFFC000  }
0x56: {  	[spmem:s1] =	stream.indirect.scatter.add.f32 [tilespmem:s20], [sflag:$0x1], $0x80, s23, s21, $0xb8;
	[tilespmem:$0x1D000] =	vst v63  }
0x57: {  	_ =	swait.ge [sflag:s18], $0x4000  }
0x58: {  	[sflag:s18] =	ssyncset.done $0x0  }
0x59: {  	s26 =	sshll.u32 s2, $0x6;
	[sflag:s18] =	ssyncadd.s32 $0xFFFFC000  }
0x5a: {  	s24 =	sshrl.u32 s7, $0x3;
	s23 =	sor.u32 $0x1C01, s26;
	[bflag:$0x0] =	sbarrier.arrive $0xFFFF  }
0x5b: {  	[hbm:s12], [sflag:s23] =	dma.local [spmem:s24], $0x800  }
0x5c: {  	_ =	swait.ge [sflag:s18], $0x800  }
0x5d: {  	[sflag:s18] =	ssyncset.done $0x0  }
0x5e: {  	s28 =	sshrl.u32 s8, $0x3;
	[sflag:s18] =	ssyncadd.s32 $0xFFFFF800  }
0x5f: {  	[hbm:s13], [sflag:s23] =	dma.local [spmem:s28], $0x800  }
0x60: {  	_ =	swait.ge [sflag:s18], $0x800  }
0x61: {  	[sflag:s18] =	ssyncset.done $0x0  }
0x62: {  	s29 =	sshrl.u32 s9, $0x3;
	[sflag:s18] =	ssyncadd.s32 $0xFFFFF800  }
0x63: {  	[hbm:s14], [sflag:s23] =	dma.local [spmem:s29], $0x800  }
0x64: {  	_ =	swait.ge [sflag:s18], $0x800  }
0x65: {  	[sflag:s18] =	ssyncset.done $0x0  }
0x66: {  	s30 =	sshrl.u32 s10, $0x3;
	[sflag:s18] =	ssyncadd.s32 $0xFFFFF800  }
0x67: {  	[hbm:s15], [sflag:s23] =	dma.local [spmem:s30], $0x800  }
0x68: {  	s22 =	sadd.s32 $0x1, s22;
	_ =	swait.ge [sflag:s18], $0x800  }
0x69: {  	p0 =	sne.s32 s22, s17;
	[sflag:s18] =	ssyncset.done $0x0  }
.Ltmp2:
0x6a: {  	s31 =	sshrl.u32 s11, $0x3;
	[sflag:s18] =	ssyncadd.s32 $0xFFFFF800;
	(pc) =	sbr.rel @p0 .LBB2_1-.Ltmp2, $4  }
0x6b: {  	[hbm:s16], [sflag:s23] =	dma.local [spmem:s31], $0x800  }
0x6c: {  	_ =	swait.ge [sflag:s18], $0x800  }
0x6d: {  	[sflag:s18] =	ssyncset.done $0x0  }
0x6e: {  	[sflag:s18] =	ssyncadd.s32 $0xFFFFF800  }
0x6f: {  	_ =	sfence.sel $0x180000  }
0x70: {  	[bflag:$0x0] =	sbarrier.arrive $0xFFFF  }
0x71: {  	p0 =	sne.s32 s2, $0x0;
	_ =	strace $0x9000004D  }
0x72: {  	s0 =	sadd.s32 @!p0 $0x100000, s0;
	[bflag:$0x2] =	sbarrier.arrive $0xFFFF  }
0x73: {  	[sflag:s0] =	ssyncadd.tile.s32 @!p0 $0x1;
	_ =	shalt  }
.Lfunc_end2:
_tile_overlayer_lowered:
.L_overlay_start_2:
0x74: {  	(tag) =	ssettag $0x2  }
0x75: {  	s0 =	rddreg [dreg:$0x0];
	s2 =	stileid.u32  }
0x76: {  	s1 =	rddreg [dreg:$0x1];
	p0 =	sne.s32 s2, $0x0  }
0x77: {  	s3 =	rddreg [dreg:$0x2];
	[bflag:$0x3] =	sbarrier.arrive $0xFFFF;
	s2 =	simm.s32 @!p0 $0x1C01  }
0x78: {  	[timem:s3], [sflag:s2] =	dma.local @!p0 [hbm:s0], s1  }
0x79: {  	s0 =	simm.s32 @!p0 $0x1  }
0x7a: {  	_ =	swait.ge @!p0 [sflag:s0], s1  }
0x7b: {  	s1 =	ssub.s32 @!p0 $0x0, s1;
	[sflag:s0] =	ssyncset.done @!p0 $0x0  }
0x7c: {  	[sflag:s0] =	ssyncadd.s32 @!p0 s1  }
0x7d: {  	[bflag:$0x3] =	sbarrier.arrive $0xFFFF  }
0x7e: {  	_ =	shalt  }

// kernel: kernel.8.cloned.1.call-start
scs
__scs_entry_jumppad:
0x0: {  	(pc) =	sbr.rel $0x88, $3  }
0x1: {  	(tag) =	ssettag $0x0;
	lr =	simm.s32 $0x1  }
0x2: {  	[smem:$0x3F9B] =	sst lr;
	_ =	strace $0xD0000000  }
0x3: {  	_ = 	snop  }
0x4: {  	_ = 	snop  }
0x5: {  	_ = 	snop  }
0x6: {  	_ = 	snop  }
0x7: {  	_ = 	snop  }
__scs_overlays_trampoline_lowered:
0x8: {  	[smem:$0x3FAA] =	sst s0  }
0x9: {  	[smem:$0x3FAB] =	sst s1  }
0xa: {  	[smem:$0x3FAC] =	sst s2  }
0xb: {  	[smem:$0x3FAD] =	sst s3  }
0xc: {  	[smem:$0x3FAE] =	sst s4  }
0xd: {  	[smem:$0x3FAF] =	sst s5  }
0xe: {  	[smem:$0x3FB0] =	sst s6  }
0xf: {  	[smem:$0x3FB1] =	sst s7  }
0x10: {  	[smem:$0x3FB2] =	sst s8  }
0x11: {  	[smem:$0x3FB3] =	sst s9;
	s0 =	simm.s32 @!p0 $0x0  }
0x12: {  	s1 =	sld [smem:$0x3F99];
	s0 =	simm.s32 @p0 $0x1  }
0x13: {  	[smem:$0x3FB4] =	sst s0;
	s0 =	simm.s32 @!p1 $0x0  }
0x14: {  	s2 =	sld [smem:$0x3F98];
	s0 =	simm.s32 @p1 $0x1  }
0x15: {  	[smem:$0x3FB5] =	sst s0;
	s0 =	simm.s32 @!p2 $0x0  }
0x16: {  	s3 =	sld [smem:$0x3FDB];
	s0 =	simm.s32 @p2 $0x1  }
0x17: {  	s4 =	simm.s32 $0x1BF5;
	[smem:$0x3FB7] =	sst s0  }
0x18: {  	s0 =	sld [smem:$0x3F9A];
	_ =	swait.ge [sflag:s4], $0x0  }
0x19: {  	s7 =	sld [smem:$0x3F9B]  }
0x1a: {  	s8 =	sadd.s32 $0xFFFFE003, lr  }
0x1b: {  	s9 =	sadd.s32 $0xFFFFFEF7, lr;
	s5 =	simm.s32 $0xFFFFFFFF;
	p2 =	slt.u32 s8, $0xFFFFF086  }
0x1c: {  	p1 =	slt.u32 s9, $0xF7A;
	s5 =	simm.s32 @!p2 $0x0  }
0x1d: {  	s5 =	simm.s32 @p1 $0x1;
	p0 =	seq.s32 s7, s2  }
0x1e: {  	s7 =	smul.u32 @!p0 $0xF7A, s2;
	p2 =	seq.s32 @!p0 s5, $0x0  }
0x1f: {  	s9 =	smul.u32 $0xF7A, s1;
	s8 =	simm.s32 @!p0 $0x1BF5;
	p2 =	por !p2, p0  }
0x20: {  	[sflag:s8] =	ssyncset.s32 @!p0 $0xFFFFF086;
	s6 =	sadd.s32 @!p0 s3, s7;
	s7 =	simm.s32 @!p0 $0x108  }
0x21: {  	s3 =	sadd.s32 s3, s9;
	s6 =	sadd.s32 @!p0 $0x88, s6;
	s7 =	simm.s32 @p2 $0x1082  }
0x22: {  	[simem:s7], [sflag:s8] =	dma.local @!p0 [hbm:s6], $0xF7A  }
0x23: {  	s9 =	sor.u32 $0xD0000000, s2;
	s6 =	simm.s32 $0x108;
	_ =	swait.ge @!p0 [sflag:s8], $0x0  }
0x24: {  	s3 =	sadd.s32 $0x88, s3;
	s6 =	simm.s32 @!p1 $0x1082;
	[sflag:s4] =	ssyncset.s32 $0xFFFFF086  }
0x25: {  	[simem:s6], [sflag:s4] =	dma.local [hbm:s3], $0xF7A  }
0x26: {  	[smem:$0x3F9B] =	sst s1;
	(tag) =	ssettag s2;
	_ =	strace s9  }
0x27: {  	s1 =	sld [smem:$0x3FAB]  }
0x28: {  	s2 =	sld [smem:$0x3FAC]  }
0x29: {  	s4 =	sld [smem:$0x3FAE]  }
0x2a: {  	p0 =	seq.s32 s5, $0x0;
	s5 =	sld [smem:$0x3FAF]  }
0x2b: {  	s6 =	sld [smem:$0x3FB0]  }
0x2c: {  	s7 =	sld [smem:$0x3FB1]  }
0x2d: {  	s3 =	simm.s32 $0x108;
	s8 =	sld [smem:$0x3FB2]  }
0x2e: {  	s3 =	simm.s32 @!p0 $0x1082;
	s9 =	sld [smem:$0x3FB3]  }
0x2f: {  	lr =	sadd.s32 s0, s3;
	s0 =	sld [smem:$0x3FAA]  }
0x30: {  	s3 =	sld [smem:$0x3FAD]  }
0x31: {  	[smem:$0x3FB6] =	sst s10  }
0x32: {  	s10 =	sld [smem:$0x3FB4];
	_ =	sdelay $0x3  }
0x33: {  	p0 =	seq.s32 s10, $0x1;
	s10 =	sld [smem:$0x3FB6];
	_ =	sdelay $0x3  }
0x34: {  	[smem:$0x3FB6] =	sst s10  }
0x35: {  	s10 =	sld [smem:$0x3FB5];
	_ =	sdelay $0x3  }
0x36: {  	p1 =	seq.s32 s10, $0x1;
	s10 =	sld [smem:$0x3FB6];
	_ =	sdelay $0x3  }
0x37: {  	[smem:$0x3FB6] =	sst s10  }
0x38: {  	s10 =	sld [smem:$0x3FB7]  }
0x39: {  	_ = 	snop;
	(pc) =	sbr.ind lr, $3  }
0x3a: {  	_ = 	snop  }
0x3b: {  	_ = 	snop  }
0x3c: {  	p2 =	seq.s32 s10, $0x1;
	s10 =	sld [smem:$0x3FB6]  }
0x3d: {  	_ =	shalt  }
0x3e: {  	_ =	shalt  }
0x3f: {  	_ =	shalt  }
0x40: {  	_ =	shalt  }
0x41: {  	_ =	shalt  }
0x42: {  	_ =	shalt  }
0x43: {  	_ =	shalt  }
0x44: {  	_ =	shalt  }
0x45: {  	_ =	shalt  }
0x46: {  	_ =	shalt  }
0x47: {  	_ =	shalt  }
0x48: {  	_ =	shalt  }
0x49: {  	_ =	shalt  }
0x4a: {  	_ =	shalt  }
0x4b: {  	_ =	shalt  }
0x4c: {  	_ =	shalt  }
0x4d: {  	_ =	shalt  }
0x4e: {  	_ =	shalt  }
0x4f: {  	_ =	shalt  }
0x50: {  	_ =	shalt  }
0x51: {  	_ =	shalt  }
0x52: {  	_ =	shalt  }
0x53: {  	_ =	shalt  }
0x54: {  	_ =	shalt  }
0x55: {  	_ =	shalt  }
0x56: {  	_ =	shalt  }
0x57: {  	_ =	shalt  }
0x58: {  	_ =	shalt  }
0x59: {  	_ =	shalt  }
0x5a: {  	_ =	shalt  }
0x5b: {  	_ =	shalt  }
0x5c: {  	_ =	shalt  }
0x5d: {  	_ =	shalt  }
0x5e: {  	_ =	shalt  }
0x5f: {  	_ =	shalt  }
0x60: {  	_ =	shalt  }
0x61: {  	_ =	shalt  }
0x62: {  	_ =	shalt  }
0x63: {  	_ =	shalt  }
0x64: {  	_ =	shalt  }
0x65: {  	_ =	shalt  }
0x66: {  	_ =	shalt  }
0x67: {  	_ =	shalt  }
0x68: {  	_ =	shalt  }
0x69: {  	_ =	shalt  }
0x6a: {  	_ =	shalt  }
0x6b: {  	_ =	shalt  }
0x6c: {  	_ =	shalt  }
0x6d: {  	_ =	shalt  }
0x6e: {  	_ =	shalt  }
0x6f: {  	_ =	shalt  }
0x70: {  	_ =	shalt  }
0x71: {  	_ =	shalt  }
0x72: {  	_ =	shalt  }
0x73: {  	_ =	shalt  }
0x74: {  	_ =	shalt  }
0x75: {  	_ =	shalt  }
0x76: {  	_ =	shalt  }
0x77: {  	_ =	shalt  }
0x78: {  	_ =	shalt  }
0x79: {  	_ =	shalt  }
0x7a: {  	_ =	shalt  }
0x7b: {  	_ =	shalt  }
0x7c: {  	_ =	shalt  }
0x7d: {  	_ =	shalt  }
0x7e: {  	_ =	shalt  }
0x7f: {  	_ =	shalt  }
0x80: {  	_ =	shalt  }
0x81: {  	_ =	shalt  }
0x82: {  	_ =	shalt  }
0x83: {  	_ =	shalt  }
0x84: {  	_ =	shalt  }
0x85: {  	_ =	shalt  }
0x86: {  	_ =	shalt  }
0x87: {  	_ =	shalt  }
.Lfunc_end0:
.L_simem_size_0:
called_computation_lowered:
.L_overlay_start_0:
0x88: {  	s2 =	sld [smem:$0x3FD9]  }
0x89: {  	s3 =	sld [smem:$0x3FFE];
	_ =	sdelay $0x1  }
0x8a: {  	s1 =	srdreg.scid  }
0x8b: {  	s0 =	sand.u32 $0x1, s1  }
0x8c: {  	s16 =	sshll.u32 s0, $0xA;
	s2 =	sadd.s32 s3, s2  }
0x8d: {  	s2 =	sadd.s32 s2, s16  }
0x8e: {  	[smem:$0x3FC2] =	sst s2  }
0x8f: {  	_ = 	snop  }
0x90: {  	(tm) =	ssettm $0x1  }
0x91: {  	s17 =	sld [smem:$0x3FFB];
	_ =	sdelay $0x3  }
0x92: {  	_ =	strace s17  }
0x93: {  	s2 =	sld [smem:$0x3FFC];
	_ =	sdelay $0x3  }
0x94: {  	_ =	strace s2  }
0x95: {  	s2 =	sld [smem:$0x3FFD];
	_ =	sdelay $0x3  }
0x96: {  	_ =	strace s2  }
0x97: {  	_ =	strace $0x8FFFFFFF  }
0x98: {  	s18 =	sld [smem:$0x3FDB];
	_ =	sdelay $0x1  }
0x99: {  	s19 =	simm.s32 $_scs_section_size  }
0x9a: {  	s4 =	simm.s32 $_size__tile_overlayer_lowered;
	s5 =	simm.s32 $_tile_overlayer_lowered  }
0x9b: {  	s22 =	simm.s32 $0x1BFF;
	s21 =	sshll.u32 s5, $0x1;
	s2 =	sadd.s32 s19, s18  }
0x9c: {  	s6 =	simm.s32 $0x0;
	s20 =	sshll.u32 s4, $0x1;
	s4 =	sadd.s32 s21, s2  }
0x9d: {  	[timem:s6], [sflag:s22] =	dma.local [hbm:s4], s20  }
0x9e: {  	_ =	swait.ge [sflag:s22], s20  }
0x9f: {  	s3 =	ssub.s32 $0x0, s20;
	[sflag:s22] =	ssyncset.done $0x0  }
0xa0: {  	[sflag:s22] =	ssyncadd.s32 s3;
	_ =	sdelay $0x1  }
0xa1: {  	s23 =	simm.s32 $0x1B8B  }
0xa2: {  	_ =	swait.ge [sflag:s23], $0x1  }
0xa3: {  	[sflag:s23] =	ssyncset.done $0x0  }
0xa4: {  	s25 =	simm.s32 $0x1B8E;
	s24 =	sld [smem:$0x3FFE];
	[sflag:s23] =	ssyncadd.s32 $0xFFFFFFFF  }
0xa5: {  	s26 =	simm.s32 $execute0_lowered;
	[smem:$0x3FD2] =	sst s25  }
0xa6: {  	s4 =	sshll.u32 s26, $0x1;
	_ =	strace $0x80000046;
	[dreg:$0x1] =	wrdreg $0xFFFFFFFF  }
0xa7: {  	s28 =	simm.s32 $_size_execute0_lowered;
	s2 =	sadd.s32 s2, s4;
	[dreg:$0x0] =	wrdreg $0x0  }
0xa8: {  	s4 =	sshll.u32 s28, $0x1;
	[dreg:$0x2] =	wrdreg s2  }
0xa9: {  	[dreg:$0x3] =	wrdreg s4  }
0xaa: {  	[dreg:$0x4] =	wrdreg $0xC0  }
0xab: {  	_ =	task [dreg:s6], $0x5FFFF  }
0xac: {  	[dreg:$0x1] =	wrdreg $0xFFFFFFFF  }
0xad: {  	[dreg:$0x0] =	wrdreg $0x60  }
0xae: {  	[dreg:$0x2] =	wrdreg s24  }
0xaf: {  	[dreg:$0x3] =	wrdreg $0x2B000  }
0xb0: {  	[dreg:$0x4] =	wrdreg $0x9  }
0xb1: {  	_ =	task.clear_ibuf [dreg:s6], $0x5FFFF;
	_ =	strace $0x90000046  }
0xb2: {  	s29 =	simm.s32 $0x9;
	_ =	strace $0x80000048  }
0xb3: {  	_ =	swait.ge [sflag:s29], $0x1  }
0xb4: {  	[sflag:s29] =	ssyncadd.s32 $0xFFFFFFFF  }
0xb5: {  	_ =	strace $0x90000048  }
0xb6: {  	_ =	sfence  }
0xb7: {  	s30 =	sld [smem:$0x0];
	_ =	sdelay $0x2  }
0xb8: {  	s31 =	sshll.u32 s1, $0xD;
	s1 =	sshrl.u32 s1, $0x2  }
0xb9: {  	s3 =	sand.u32 $0x4000, s31;
	s1 =	sadd.s32 s1, s30  }
0xba: {  	s0 =	sor.u32 s3, s0;
	s1 =	sshll.u32 s1, $0x11  }
0xbb: {  	s0 =	sor.u32 s1, s0  }
0xbc: {  	s0 =	sadd.s32 $0x8F2B, s0  }
0xbd: {  	[sflag:s0] =	ssyncadd.remote.s32 $0x1  }
0xbe: {  	_ =	sfence.sel $0xFFFF  }
0xbf: {  	[dreg:$0x0] =	wrdreg $0xFFFFFFFF;
	(pc) =	sbr.abs _section_cstart, $3  }
0xc0: {  	[dreg:$0x1] =	wrdreg $0xFFFFFFFF  }
0xc1: {  	_ =	task.clear_ibuf [dreg:s6], $0x2FFFF;
	_ =	strace $0x9FFFFFFF  }
0xc2: {  	(tm) =	ssettm $0x7FFFFFFF  }
0xc3: {  	_ =	shalt  }
tec
execute0_lowered:
.L_overlay_start_1:
0x0: {  	(tag) =	ssettag $0x1  }
0x1: {  	s4 =	rddreg [dreg:$0x0];
	s0 =	srdreg.scid  }
0x2: {  	s2 =	rddreg [dreg:$0x1];
	s1 =	stileid.u32  }
0x3: {  	s3 =	simm.s32 $0x0;
	s10 =	simm.s32 $0x80;
	s11 =	simm.s32 $0x2800  }
0x4: {  	s14 =	simm.s32 $0x20;
	s15 =	simm.s32 $0x10;
	s16 =	simm.s32 $0x0  }
0x5: {  	s5 =	sand.u32 $0x1, s0;
	s0 =	rddreg [dreg:$0x2];
	s7 =	smul.u32 $0x500, s1  }
0x6: {  	[smem:$0x7FF] =	sst s3;
	s30 =	smul.u32 $0xA00, s1;
	s12 =	sshll.u32 s1, $0x6  }
0x7: {  	s6 =	sshll.u32 s5, $0x4;
	s8 =	sshll.u32 s5, $0x7;
	_ =	strace $0x80000047  }
0x8: {  	s5 =	ssub.s32 $0x2, s5;
	s12 =	sor.u32 $0x1C01, s12;
	s6 =	sor.u32 s1, s6  }
0x9: {  	s7 =	sor.u32 s8, s7;
	s31 =	sshrl.u32 s5, $0x1;
	s6 =	smul.u32 $0x500, s6  }
0xa: {  	s8 =	sshrl.u32 s30, $0x2;
	s7 =	sshrl.u32 s7, $0x3;
	s9 =	ssub.s32 s5, s31  }
0xb: {  	s5 =	sadd.s32 s8, s2;
	s8 =	simm.s32 $0x1;
	s6 =	sadd.s32 s6, s4  }
0xc: {  	s7 =	sadd.s32 s7, s4;
	s13 =	sshrl.u32 s5, $0x3;
	s4 =	sadd.s32 $0x2000, s6  }
0xd: {  	v0 =	vimm.f32 $1.000000000e+00;
	v1 =	vimm.f32 $0.0e+00;
	s6 =	sadd.s32 $0xC000, s7;
	s7 =	smax.u32 s9, $0x1;
	s9 =	simm.s32 $0x2880  }
.LBB2_1:
0xe: {  	[tilespmem:s3], [sflag:$0x1] =	stream.linear.gather [hbm4b:s4+s3], $0x2780, $0x38;
	[tilespmem:$0x2D80] =	vst v63  }
0xf: {  	_ =	swait.ge [sflag:s8], $0x2780  }
0x10: {  	[sflag:s8] =	ssyncset.done $0x0  }
0x11: {  	[sflag:s8] =	ssyncadd.s32 $0xFFFFD880  }
0x12: {  	[tilespmem:$0x2800] =	vst v0  }
0x13: {  	[tilespmem:$0x2810] =	vst v0  }
0x14: {  	[tilespmem:$0x2820] =	vst v0  }
0x15: {  	[tilespmem:$0x2830] =	vst v0  }
0x16: {  	[tilespmem:$0x2840] =	vst v0  }
0x17: {  	[tilespmem:$0x2850] =	vst v0  }
0x18: {  	[tilespmem:$0x2860] =	vst v0  }
0x19: {  	[tilespmem:$0x2870] =	vst v0  }
0x1a: {  	[tilespmem:$0x2880] =	vst v1  }
0x1b: {  	[tilespmem:$0x2890] =	vst v1  }
0x1c: {  	[tilespmem:$0x28A0] =	vst v1  }
0x1d: {  	[tilespmem:$0x28B0] =	vst v1  }
0x1e: {  	[tilespmem:$0x28C0] =	vst v1  }
0x1f: {  	[tilespmem:$0x28D0] =	vst v1  }
0x20: {  	[tilespmem:$0x28E0] =	vst v1  }
0x21: {  	[tilespmem:$0x28F0] =	vst v1  }
0x22: {  	[tilespmem:$0x2900] =	vst v1  }
0x23: {  	[tilespmem:$0x2910] =	vst v1  }
0x24: {  	[tilespmem:$0x2920] =	vst v1  }
0x25: {  	[tilespmem:$0x2930] =	vst v1  }
0x26: {  	[tilespmem:$0x2940] =	vst v1  }
0x27: {  	[tilespmem:$0x2950] =	vst v1  }
0x28: {  	[tilespmem:$0x2960] =	vst v1  }
0x29: {  	[tilespmem:$0x2970] =	vst v1  }
0x2a: {  	[tilespmem:$0x2980] =	vst v1  }
0x2b: {  	[tilespmem:$0x2990] =	vst v1  }
0x2c: {  	[tilespmem:$0x29A0] =	vst v1  }
0x2d: {  	[tilespmem:$0x29B0] =	vst v1  }
0x2e: {  	[tilespmem:$0x29C0] =	vst v1  }
0x2f: {  	[tilespmem:$0x29D0] =	vst v1  }
0x30: {  	[tilespmem:$0x29E0] =	vst v1  }
0x31: {  	[tilespmem:$0x29F0] =	vst v1  }
0x32: {  	[tilespmem:$0x2A00] =	vst v1  }
0x33: {  	[tilespmem:$0x2A10] =	vst v1  }
0x34: {  	[tilespmem:$0x2A20] =	vst v1  }
0x35: {  	[tilespmem:$0x2A30] =	vst v1  }
0x36: {  	[tilespmem:$0x2A40] =	vst v1  }
0x37: {  	[tilespmem:$0x2A50] =	vst v1  }
0x38: {  	[tilespmem:$0x2A60] =	vst v1  }
0x39: {  	[tilespmem:$0x2A70] =	vst v1  }
0x3a: {  	[tilespmem:$0x2A80] =	vst v1  }
0x3b: {  	[tilespmem:$0x2A90] =	vst v1  }
0x3c: {  	[tilespmem:$0x2AA0] =	vst v1  }
0x3d: {  	[tilespmem:$0x2AB0] =	vst v1  }
0x3e: {  	[tilespmem:$0x2AC0] =	vst v1  }
0x3f: {  	[tilespmem:$0x2AD0] =	vst v1  }
0x40: {  	[tilespmem:$0x2AE0] =	vst v1  }
0x41: {  	[tilespmem:$0x2AF0] =	vst v1  }
0x42: {  	[spmem:s5] =	stream.linear.scatter [tilespmem:s9], [sflag:$0x1], $0x280, $0x38;
	[tilespmem:$0x2D80] =	vst v63  }
0x43: {  	_ =	swait.ge [sflag:s8], $0x280  }
0x44: {  	[sflag:s8] =	ssyncset.done $0x0  }
0x45: {  	[sflag:s8] =	ssyncadd.s32 $0xFFFFFD80  }
0x46: {  	s17 =	simm.s32 $0x0;
	[bflag:$0x0] =	sbarrier.arrive $0xFFFF  }
0x47: {  	[spmem:s2] =	stream.indirect.scatter.add.f32 [tilespmem:s11], [sflag:$0x1], $0x1, s17, s10, $0xb8;
	[tilespmem:$0x2D80] =	vst v63  }
0x48: {  	_ =	swait.ge [sflag:s8], $0x80  }
0x49: {  	s17 =	simm.s32 $0x200;
	[sflag:s8] =	ssyncset.done $0x0  }
.LBB2_2:
0x4a: {  	s18 =	sshra.s32 s17, $0x2;
	[sflag:s8] =	ssyncadd.s32 $0xFFFFFF80;
	p0 =	sne.s32 s17, $0x9C00  }
0x4b: {  	[spmem:s2] =	stream.indirect.scatter.add.f32 [tilespmem:s11], [sflag:$0x1], $0x1, s18, s10, $0xb8;
	[tilespmem:$0x2D80] =	vst v63  }
.Ltmp0:
0x4c: {  	_ = 	snop;
	(pc) =	sbr.rel @p0 .LBB2_2-.Ltmp0, $4  }
0x4d: {  	_ = 	snop  }
0x4e: {  	s17 =	sadd.s32 $0x200, s17  }
0x4f: {  	_ =	swait.ge [sflag:s8], $0x80  }
0x50: {  	[sflag:s8] =	ssyncset.done $0x0  }
0x51: {  	s16 =	sadd.s32 $0x1, s16  }
0x52: {  	[sflag:s8] =	ssyncadd.s32 $0xFFFFFF80;
	p0 =	sne.s32 s16, s7  }
.Ltmp1:
0x53: {  	[bflag:$0x0] =	sbarrier.arrive $0xFFFF;
	(pc) =	sbr.rel @p0 .LBB2_1-.Ltmp1, $4  }
0x54: {  	[hbm:s6@s14], [sflag:s12] =	dma.strided [spmem:s13@s15], $0x50, s8, $0x10   }
0x55: {  	_ =	swait.ge [sflag:s8], $0x50  }
0x56: {  	[sflag:s8] =	ssyncset.done $0x0  }
0x57: {  	[sflag:s8] =	ssyncadd.s32 $0xFFFFFFB0  }
0x58: {  	_ =	sfence.sel $0x180000  }
0x59: {  	[bflag:$0x0] =	sbarrier.arrive $0xFFFF  }
0x5a: {  	p0 =	sne.s32 s1, $0x0;
	_ =	strace $0x90000047  }
0x5b: {  	s0 =	sadd.s32 @!p0 $0x100000, s0;
	[bflag:$0x2] =	sbarrier.arrive $0xFFFF  }
0x5c: {  	[sflag:s0] =	ssyncadd.tile.s32 @!p0 $0x1;
	_ =	shalt  }
.Lfunc_end2:
_tile_overlayer_lowered:
.L_overlay_start_2:
0x5d: {  	(tag) =	ssettag $0x2  }
0x5e: {  	s0 =	rddreg [dreg:$0x0];
	s2 =	stileid.u32  }
0x5f: {  	s1 =	rddreg [dreg:$0x1];
	p0 =	sne.s32 s2, $0x0  }
0x60: {  	s3 =	rddreg [dreg:$0x2];
	[bflag:$0x3] =	sbarrier.arrive $0xFFFF;
	s2 =	simm.s32 @!p0 $0x1C01  }
0x61: {  	[timem:s3], [sflag:s2] =	dma.local @!p0 [hbm:s0], s1  }
0x62: {  	s0 =	simm.s32 @!p0 $0x1  }
0x63: {  	_ =	swait.ge @!p0 [sflag:s0], s1  }
0x64: {  	s1 =	ssub.s32 @!p0 $0x0, s1;
	[sflag:s0] =	ssyncset.done @!p0 $0x0  }
0x65: {  	[sflag:s0] =	ssyncadd.s32 @!p0 s1  }
0x66: {  	[bflag:$0x3] =	sbarrier.arrive $0xFFFF  }
0x67: {  	_ =	shalt  }

</sc_bundles>
